<compile_context>
chip_gen: v7x
topology: tpu7x:2x2x1
jax: 0.10.2.dev20260603
libtpu: 0.0.44.dev20260713+nightly
codegen_flags: <defaults>
</compile_context>

<pallas_src>
import jax
import jax.numpy as jnp
from jax.experimental import pallas as pl
from jax.experimental.pallas import tpu as pltpu
from jax.experimental.pallas import tpu_sc as plsc

_E = 8
_D = 768
_H = 4 * _D
_T = 2048
_P = 2 * _T
_TM = 256
_NT = 24
_NTP = 32
_ROWS = _NT * _TM
_CS = 512

_DH = _D // 2
_GW = 128


def _router_body(x_ref, wg_ref, bg_ref,
                 pos0_ref, pos1_ref, g0_ref, g1_ref, te_ref,
                 rmap_ref, nu_ref):
    x = x_ref[...]
    logits = jnp.dot(x, wg_ref[...], preferred_element_type=jnp.float32)
    logits = logits + bg_ref[...]
    col = jax.lax.broadcasted_iota(jnp.int32, (_T, _E), 1)

    m1 = jnp.max(logits, axis=1, keepdims=True)
    idx1 = jnp.min(jnp.where(logits == m1, col, _E), axis=1, keepdims=True)
    oh1 = col == idx1
    masked = jnp.where(oh1, -jnp.inf, logits)
    m2 = jnp.max(masked, axis=1, keepdims=True)
    idx2 = jnp.min(jnp.where(masked == m2, col, _E), axis=1, keepdims=True)
    oh2 = col == idx2

    e21 = jnp.exp(m2 - m1)
    g0_ref[...] = 1.0 / (1.0 + e21)
    g1_ref[...] = e21 / (1.0 + e21)

    o1 = oh1.astype(jnp.float32)
    o2 = oh2.astype(jnp.float32)

    row = jax.lax.broadcasted_iota(jnp.int32, (_CS, _CS), 0)
    colr = jax.lax.broadcasted_iota(jnp.int32, (_CS, _CS), 1)
    stl = (colr < row).astype(jnp.float32)
    run = jnp.zeros((1, _E), jnp.float32)
    ranks = []
    for onehot in (o1, o2):
        rblocks = []
        for b in range(_T // _CS):
            ob = jax.lax.slice(onehot, (b * _CS, 0), ((b + 1) * _CS, _E))
            rblocks.append(
                jnp.dot(stl, ob, preferred_element_type=jnp.float32) + run)
            run = run + jnp.sum(ob, axis=0, keepdims=True)
        ranks.append(jnp.concatenate(rblocks, axis=0))
    rank1, rank2 = ranks
    counts = run

    pc = jnp.ceil(counts / _TM) * _TM
    er = jax.lax.broadcasted_iota(jnp.int32, (_E, _E), 0)
    ec = jax.lax.broadcasted_iota(jnp.int32, (_E, _E), 1)
    excl = (er < ec).astype(jnp.float32)
    poff = jnp.dot(pc, excl, preferred_element_type=jnp.float32)

    pos0 = jnp.sum((rank1 + poff) * o1, axis=1, keepdims=True)
    pos1 = jnp.sum((rank2 + poff) * o2, axis=1, keepdims=True)
    pos0_ref[...] = pos0.astype(jnp.int32)
    pos1_ref[...] = pos1.astype(jnp.int32)

    tend = (poff + pc) / _TM
    eye = (er == ec).astype(jnp.float32)
    tend_col = jnp.sum(jnp.broadcast_to(tend, (_E, _E)) * eye,
                       axis=1, keepdims=True)
    tid = jax.lax.broadcasted_iota(jnp.int32, (_E, _NTP), 1).astype(jnp.float32)
    ind = (tend_col <= tid).astype(jnp.int32)
    te = jnp.sum(ind, axis=0, keepdims=True)
    erow = jax.lax.broadcasted_iota(jnp.int32, (1, _E), 1)
    last_e = jnp.max(jnp.where(counts > 0, erow, 0), axis=1, keepdims=True)
    te_ref[...] = jnp.minimum(te, last_e)

    nu = (jnp.sum(pc, axis=1, keepdims=True) / _TM).astype(jnp.int32)
    nu_ref[...] = nu
    tid_i = jax.lax.broadcasted_iota(jnp.int32, (1, _NTP), 1)
    rmap_ref[...] = jnp.minimum(tid_i, nu - 1)


def _run_router(x2d, wg, bg2d):
    out_shapes = (
        jax.ShapeDtypeStruct((_T, 1), jnp.int32),
        jax.ShapeDtypeStruct((_T, 1), jnp.int32),
        jax.ShapeDtypeStruct((_T, 1), jnp.float32),
        jax.ShapeDtypeStruct((_T, 1), jnp.float32),
        jax.ShapeDtypeStruct((1, _NTP), jnp.int32),
        jax.ShapeDtypeStruct((1, _NTP), jnp.int32),
        jax.ShapeDtypeStruct((1, 1), jnp.int32),
    )
    return pl.pallas_call(
        _router_body,
        out_shape=out_shapes,
    )(x2d, wg, bg2d)


def _ffn_body(te_ref, rmap_ref, nu_ref,
              x_ref, p0_ref, p1_ref, w1_ref, b1_ref, w2_ref, b2_ref, o_ref):
    del te_ref

    @pl.when(pl.program_id(0) < nu_ref[0])
    def _():
        r0 = rmap_ref[pl.program_id(0)] * _TM
        rid = jax.lax.broadcasted_iota(jnp.int32, (_TM, _T), 0) + r0
        sel = jnp.logical_or(p0_ref[...] == rid, p1_ref[...] == rid)
        xs = jnp.dot(sel.astype(jnp.float32), x_ref[...],
                     preferred_element_type=jnp.float32)
        h = jnp.dot(xs, w1_ref[0],
                    preferred_element_type=jnp.float32) + b1_ref[0]
        h = jnp.maximum(h, 0.0)
        o_ref[...] = jnp.dot(h, w2_ref[0],
                             preferred_element_type=jnp.float32) + b2_ref[0]


def _run_ffn(te, rmap, nu, x2d, p0, p1, w1, b13, w2, b23):
    grid_spec = pltpu.PrefetchScalarGridSpec(
        num_scalar_prefetch=3,
        grid=(_NT,),
        in_specs=[
            pl.BlockSpec((_T, _D), lambda i, te, rm, nu: (0, 0)),
            pl.BlockSpec((1, _T), lambda i, te, rm, nu: (0, 0)),
            pl.BlockSpec((1, _T), lambda i, te, rm, nu: (0, 0)),
            pl.BlockSpec((1, _D, _H), lambda i, te, rm, nu: (te[i], 0, 0)),
            pl.BlockSpec((1, 1, _H), lambda i, te, rm, nu: (te[i], 0, 0)),
            pl.BlockSpec((1, _H, _D), lambda i, te, rm, nu: (te[i], 0, 0)),
            pl.BlockSpec((1, 1, _D), lambda i, te, rm, nu: (te[i], 0, 0)),
        ],
        out_specs=pl.BlockSpec((_TM, _D), lambda i, te, rm, nu: (rm[i], 0)),
    )
    return pl.pallas_call(
        _ffn_body,
        grid_spec=grid_spec,
        out_shape=jax.ShapeDtypeStruct((_ROWS, _D), jnp.float32),
        compiler_params=pltpu.CompilerParams(vmem_limit_bytes=64 * 2**20),
    )(te, rmap, nu, x2d, p0, p1, w1, b13, w2, b23)


def _run_combine_gather(ysh, ii):
    mesh = plsc.VectorSubcoreMesh(core_axis_name="core",
                                  subcore_axis_name="subcore")

    @pl.kernel(out_type=jax.ShapeDtypeStruct((4 * _T, _DH), jnp.float32),
               mesh=mesh)
    def combine(ys_hbm, i_hbm, o_hbm):
        def body(i_vmem, o_vmem):
            pltpu.sync_copy(ys_hbm.at[i_vmem.at[0]], o_vmem)

        pltpu.emit_pipeline(
            body,
            grid=(4 * _T // _GW,),
            in_specs=[pl.BlockSpec((1, _GW), lambda i: (0, i))],
            out_specs=[pl.BlockSpec((_GW, _DH), lambda i: (i, 0))],
            core_axis_name=("core", "subcore"),
            dimension_semantics=(pltpu.PARALLEL,),
        )(i_hbm, o_hbm)

    return combine(ysh, ii)


def _wadd_body(y0_ref, y1_ref, g0_ref, g1_ref, o_ref):
    o_ref[...] = g0_ref[...] * y0_ref[...] + g1_ref[...] * y1_ref[...]


def _run_wadd(y0, y1, g0, g1):
    grid = (_T // _TM,)
    return pl.pallas_call(
        _wadd_body,
        grid=grid,
        in_specs=[
            pl.BlockSpec((_TM, _D), lambda i: (i, 0)),
            pl.BlockSpec((_TM, _D), lambda i: (i, 0)),
            pl.BlockSpec((_TM, 1), lambda i: (i, 0)),
            pl.BlockSpec((_TM, 1), lambda i: (i, 0)),
        ],
        out_specs=pl.BlockSpec((_TM, _D), lambda i: (i, 0)),
        out_shape=jax.ShapeDtypeStruct((_T, _D), jnp.float32),
    )(y0, y1, g0, g1)


def kernel(x, Wg, bg, W1, b1, W2, b2):
    b, s, d = x.shape
    x2d = x.reshape(_T, _D)
    bg2d = bg.reshape(1, _E)
    b13 = b1.reshape(_E, 1, _H)
    b23 = b2.reshape(_E, 1, _D)

    pos0, pos1, g0, g1, te, rmap, nu = _run_router(x2d, Wg, bg2d)

    ys = _run_ffn(te.reshape(_NTP), rmap.reshape(_NTP), nu.reshape(1),
                  x2d, pos0.reshape(1, _T), pos1.reshape(1, _T),
                  W1, b13, W2, b23)

    i0 = jnp.concatenate([pos0 * 2, pos0 * 2 + 1], axis=1).reshape(1, 2 * _T)
    i1 = jnp.concatenate([pos1 * 2, pos1 * 2 + 1], axis=1).reshape(1, 2 * _T)
    iic = jnp.concatenate([i0, i1], axis=1)
    yy = _run_combine_gather(ys.reshape(2 * _ROWS, _DH), iic)
    y0 = yy[:2 * _T].reshape(_T, _D)
    y1 = yy[2 * _T:].reshape(_T, _D)
    out = _run_wadd(y0, y1, g0, g1)
    return out.reshape(b, s, d)

# --- scband reference (transcript-rebuilt; emitter-appended) ---
"""Pipeline reference for scband-sparse-moe-34050500723053 (READ-ONLY COPY).

The authoritative reference and input builder live on the scoring server;
editing this copy changes nothing except your own understanding.
"""

import jax, jax.numpy as jnp
import numpy as np

E = 8
TOPK = 2
D = 768
B = 1
S = 2048

def setup_inputs(seed: int = 0) -> dict:
    key = jax.random.key(seed)
    ks = jax.random.split(key, 8)
    x = jax.random.normal(ks[0], (B, S, D), dtype=jnp.float32)
    Wg = jax.random.normal(ks[1], (D, E), dtype=jnp.float32) * 0.02
    bg = jnp.zeros((E,), dtype=jnp.float32)
    W1 = jax.random.normal(ks[2], (E, D, 4 * D), dtype=jnp.float32) * 0.02
    b1 = jnp.zeros((E, 4 * D), dtype=jnp.float32)
    W2 = jax.random.normal(ks[3], (E, 4 * D, D), dtype=jnp.float32) * 0.02
    b2 = jnp.zeros((E, D), dtype=jnp.float32)
    return {"x": x, "Wg": Wg, "bg": bg, "W1": W1, "b1": b1, "W2": W2, "b2": b2}

def reference(x, Wg, bg, W1, b1, W2, b2):
    Bx, Sx, Dm = x.shape
    flat = x.reshape(-1, Dm)
    # Router: topk is taken on the clean logits (the noise branch in the
    # original forward mutates noisy_logits but never feeds the output).
    logits = flat @ Wg + bg
    topk_vals, topk_idx = jax.lax.top_k(logits, TOPK)
    rows = jnp.arange(logits.shape[0])[:, None]
    sparse_logits = jnp.full_like(logits, -jnp.inf).at[rows, topk_idx].set(topk_vals)
    gating = jax.nn.softmax(sparse_logits, axis=-1)
    # Expert combine. Non-selected experts have exactly zero gate (softmax of
    # -inf), so the dense per-expert evaluation weighted by gating is
    # mathematically identical to the masked gather/scatter in the original.
    out = jnp.zeros_like(flat)
    for e in range(E):
        h = jax.nn.relu(flat @ W1[e] + b1[e]) @ W2[e] + b2[e]
        out = out + h * gating[:, e][:, None]
    return out.reshape(Bx, Sx, Dm)

if __name__ == "__main__":
    import jax
    _d = setup_inputs()
    print(jax.jit(kernel)(*tuple(_d.values())))

</pallas_src>

<mosaic_0001>
#map = affine_map<(d0, d1) -> (0, 0)>
module attributes {stable_mosaic.version = 14 : i64} {
  func.func @combine(%arg0: i32, %arg1: i32, %arg2: memref<12288x384xf32, #tpu.memory_space<hbm>>, %arg3: memref<1x8192xi32, #tpu.memory_space<hbm>>, %arg4: memref<8192x384xf32, #tpu.memory_space<hbm>>) attributes {dimension_semantics = [#tpu.dimension_semantics<core_parallel>, #tpu.dimension_semantics<subcore_parallel>], iteration_bounds = array<i64: 2, 16>, scalar_prefetch = 0 : i64, scratch_operands = 0 : i64, tpu.core_type = #tpu.core_type<sc_vector_subcore>, window_params = [{transform_indices = #map}, {transform_indices = #map}, {transform_indices = #map}]} {
    %mul3A = arith.constant 1 : i32
    %mul3A_0 = arith.muli %arg1, %mul3A : i32
    %add3A = arith.constant 0 : i32
    %add3A_1 = arith.addi %add3A, %mul3A_0 : i32
    %mul3A_2 = arith.constant 16 : i32
    %mul3A_3 = arith.muli %arg0, %mul3A_2 : i32
    %add3A_4 = arith.addi %add3A_1, %mul3A_3 : i32
    %mul3A_5 = arith.constant 2 : i32
    %mul3A_6 = arith.muli %add3A_4, %mul3A_5 : i32
    "tpu.region"() ({
      %run_scoped3A = memref.alloca() : memref<2x1x128xi32, #tpu.memory_space<vmem>>
      %run_scoped3A_7 = tpu.sem_alloc : memref<2x!tpu.dma_semaphore, #tpu.memory_space<semaphore_mem>>
      %run_scoped3A_8 = memref.alloca() : memref<2x128x384xf32, #tpu.memory_space<vmem>>
      %run_scoped3A_9 = tpu.sem_alloc : memref<2x!tpu.dma_semaphore, #tpu.memory_space<semaphore_mem>>
      %add3A_10 = arith.constant 0 : i32
      %add3A_11 = arith.addi %add3A_10, %mul3A_6 : i32
      %select_n3A = arith.constant true
      %select_n3A_12 = arith.constant 0 : i32
      %select_n3A_13 = arith.constant -1 : i32
      %select_n3A_14 = arith.select %select_n3A, %select_n3A_13, %select_n3A_12 : i32
      %eq3A = arith.constant -1 : i32
      %eq3A_15 = arith.cmpi eq, %select_n3A_14, %eq3A : i32
      %select_n3A_16 = arith.constant 1 : i32
      %select_n3A_17 = arith.select %eq3A_15, %select_n3A_16, %select_n3A_14 : i32
      %add3A_18 = arith.addi %select_n3A_17, %mul3A_6 : i32
      %select_n3A_19 = arith.constant true
      %select_n3A_20 = arith.constant 0 : i32
      %select_n3A_21 = arith.constant 1 : i32
      %select_n3A_22 = arith.select %select_n3A_19, %select_n3A_21, %select_n3A_20 : i32
      %eq3A_23 = arith.constant 2 : i32
      %eq3A_24 = arith.cmpi eq, %select_n3A_22, %eq3A_23 : i32
      %select_n3A_25 = arith.constant 0 : i32
      %select_n3A_26 = arith.select %eq3A_24, %select_n3A_25, %select_n3A_22 : i32
      %add3A_27 = arith.addi %select_n3A_26, %mul3A_6 : i32
      %add3A_28 = arith.constant 1 : i32
      %add3A_29 = arith.addi %select_n3A_26, %add3A_28 : i32
      %select_n3A_30 = arith.constant true
      %select_n3A_31 = arith.select %select_n3A_30, %add3A_29, %select_n3A_26 : i32
      %eq3A_32 = arith.constant 2 : i32
      %eq3A_33 = arith.cmpi eq, %select_n3A_31, %eq3A_32 : i32
      %select_n3A_34 = arith.constant 0 : i32
      %select_n3A_35 = arith.select %eq3A_33, %select_n3A_34, %select_n3A_31 : i32
      %add3A_36 = arith.addi %select_n3A_35, %mul3A_6 : i32
      "tpu.trace_start"() <{level = 10 : i32, message = "ep_initialize_0"}> : () -> ()
      %rem3A = arith.constant 0 : i32
      %rem3A_37 = arith.constant 2 : i32
      %rem3A_38 = arith.remui %rem3A, %rem3A_37 : i32
      %mul3A_39 = arith.constant 128 : i32
      %mul3A_40 = arith.muli %mul3A_39, %add3A_11 : i32
      %dma_start3A = arith.constant 0 : i32
      %dma_start3A_41 = arith.constant 0 : i32
      %dma_start3A_42 = tpu.memref_slice %run_scoped3A[%rem3A_38, %dma_start3A, %dma_start3A_41] : memref<2x1x128xi32, #tpu.memory_space<vmem>> -> memref<1x1x128xi32, #tpu.memory_space<vmem>>
      %dma_start3A_43 = tpu.memref_squeeze %dma_start3A_42 : memref<1x1x128xi32, #tpu.memory_space<vmem>> -> memref<1x128xi32, #tpu.memory_space<vmem>>
      %dma_start3A_44 = arith.constant 0 : i32
      %dma_start3A_45 = tpu.memref_slice %arg3[%dma_start3A_44, %mul3A_40] : memref<1x8192xi32, #tpu.memory_space<hbm>> -> memref<1x128xi32, #tpu.memory_space<hbm>>
      %dma_start3A_46 = tpu.memref_slice %run_scoped3A_7[%rem3A_38] : memref<2x!tpu.dma_semaphore, #tpu.memory_space<semaphore_mem>> -> memref<1x!tpu.dma_semaphore, #tpu.memory_space<semaphore_mem>>
      %dma_start3A_47 = tpu.memref_squeeze %dma_start3A_46 : memref<1x!tpu.dma_semaphore, #tpu.memory_space<semaphore_mem>> -> memref<!tpu.dma_semaphore, #tpu.memory_space<semaphore_mem>>
      %dma_start3A_48 = arith.constant 0 : i32
      %dma_start3A_49 = arith.constant 0 : i32
      %dma_start3A_50 = tpu.memref_slice %run_scoped3A[%rem3A_38, %dma_start3A_48, %dma_start3A_49] : memref<2x1x128xi32, #tpu.memory_space<vmem>> -> memref<1x1x128xi32, #tpu.memory_space<vmem>>
      %dma_start3A_51 = tpu.memref_squeeze %dma_start3A_50 : memref<1x1x128xi32, #tpu.memory_space<vmem>> -> memref<1x128xi32, #tpu.memory_space<vmem>>
      %dma_start3A_52 = arith.constant 0 : i32
      %dma_start3A_53 = tpu.memref_slice %arg3[%dma_start3A_52, %mul3A_40] : memref<1x8192xi32, #tpu.memory_space<hbm>> -> memref<1x128xi32, #tpu.memory_space<hbm>>
      tpu.enqueue_dma source(%dma_start3A_53 : memref<1x128xi32, #tpu.memory_space<hbm>>) target(%dma_start3A_51 : memref<1x128xi32, #tpu.memory_space<vmem>>) target_semaphore(%dma_start3A_47 : memref<!tpu.dma_semaphore, #tpu.memory_space<semaphore_mem>>)
      %add3A_54 = arith.constant 0 : i32
      %add3A_55 = arith.constant 1 : i32
      %add3A_56 = arith.addi %add3A_54, %add3A_55 : i32
      %select_n3A_57 = arith.constant true
      %select_n3A_58 = arith.constant 0 : i32
      %select_n3A_59 = arith.select %select_n3A_57, %add3A_56, %select_n3A_58 : i32
      "tpu.trace_stop"() : () -> ()
      %scan3A = arith.constant 0 : i32
      %scan3A_60 = arith.constant 0 : i32
      %scan3A_61 = arith.constant 0 : i32
      %scan3A_62 = arith.constant 0 : i32
      %scan3A_63 = arith.constant 0 : i32
      %scan3A_64 = arith.constant 2 : i32
      %scan3A_65 = arith.addi %scan3A_63, %scan3A_64 : i32
      %scan3A_66 = arith.constant 1 : i32
      %scan3A_67:5 = scf.for %scan3A_121 = %scan3A_63 to %scan3A_65 step %scan3A_66 iter_args(%scan3A_122 = %select_n3A_59, %scan3A_123 = %scan3A, %scan3A_124 = %scan3A_60, %scan3A_125 = %scan3A_61, %scan3A_126 = %scan3A_62) -> (i32, i32, i32, i32, i32)  : i32 {
        %eq3A_127 = arith.constant 0 : i32
        %eq3A_128 = arith.cmpi eq, %scan3A_121, %eq3A_127 : i32
        %eq3A_129 = arith.constant 1 : i32
        %eq3A_130 = arith.cmpi eq, %scan3A_121, %eq3A_129 : i32
        %add3A_131 = arith.addi %scan3A_126, %mul3A_6 : i32
        %sub3A_132 = arith.constant 1 : i32
        %sub3A_133 = arith.subi %scan3A_126, %sub3A_132 : i32
        %select_n3A_134 = arith.constant true
        %select_n3A_135 = arith.select %select_n3A_134, %sub3A_133, %scan3A_126 : i32
        %eq3A_136 = arith.constant -1 : i32
        %eq3A_137 = arith.cmpi eq, %select_n3A_135, %eq3A_136 : i32
        %select_n3A_138 = arith.constant 1 : i32
        %select_n3A_139 = arith.select %eq3A_137, %select_n3A_138, %select_n3A_135 : i32
        %add3A_140 = arith.addi %select_n3A_139, %mul3A_6 : i32
        %add3A_141 = arith.constant 1 : i32
        %add3A_142 = arith.addi %scan3A_126, %add3A_141 : i32
        %select_n3A_143 = arith.constant true
        %select_n3A_144 = arith.select %select_n3A_143, %add3A_142, %scan3A_126 : i32
        %eq3A_145 = arith.constant 2 : i32
        %eq3A_146 = arith.cmpi eq, %select_n3A_144, %eq3A_145 : i32
        %select_n3A_147 = arith.constant 0 : i32
        %select_n3A_148 = arith.select %eq3A_146, %select_n3A_147, %select_n3A_144 : i32
        %add3A_149 = arith.addi %select_n3A_148, %mul3A_6 : i32
        %add3A_150 = arith.constant 1 : i32
        %add3A_151 = arith.addi %select_n3A_148, %add3A_150 : i32
        %select_n3A_152 = arith.constant true
        %select_n3A_153 = arith.select %select_n3A_152, %add3A_151, %select_n3A_148 : i32
        %eq3A_154 = arith.constant 2 : i32
        %eq3A_155 = arith.cmpi eq, %select_n3A_153, %eq3A_154 : i32
        %select_n3A_156 = arith.constant 0 : i32
        %select_n3A_157 = arith.select %eq3A_155, %select_n3A_156, %select_n3A_153 : i32
        %add3A_158 = arith.addi %select_n3A_157, %mul3A_6 : i32
        %ne3A = arith.cmpi ne, %add3A_131, %add3A_149 : i32
        %or3A = arith.constant false
        %or3A_159 = arith.ori %or3A, %ne3A : i1
        %ge3A = arith.constant 1 : i32
        %ge3A_160 = arith.cmpi sge, %scan3A_121, %ge3A : i32
        %not3A = arith.constant true
        %not3A_161 = arith.xori %ge3A_160, %not3A : i1
        %and3A = arith.andi %or3A_159, %not3A_161 : i1
        %convert_element_type3A = arith.extui %and3A : i1 to i32
        %cond3A = arith.constant 0 : i32
        %cond3A_162 = arith.cmpi ne, %convert_element_type3A, %cond3A : i32
        scf.if %cond3A_162 {
          "tpu.trace_start"() <{level = 10 : i32, message = "ep_copy_in"}> : () -> ()
          %rem3A_264 = arith.constant 2 : i32
          %rem3A_265 = arith.remui %scan3A_122, %rem3A_264 : i32
          %mul3A_266 = arith.constant 128 : i32
          %mul3A_267 = arith.muli %mul3A_266, %add3A_149 : i32
          %dma_start3A_268 = arith.constant 0 : i32
          %dma_start3A_269 = arith.constant 0 : i32
          %dma_start3A_270 = tpu.memref_slice %run_scoped3A[%rem3A_265, %dma_start3A_268, %dma_start3A_269] : memref<2x1x128xi32, #tpu.memory_space<vmem>> -> memref<1x1x128xi32, #tpu.memory_space<vmem>>
          %dma_start3A_271 = tpu.memref_squeeze %dma_start3A_270 : memref<1x1x128xi32, #tpu.memory_space<vmem>> -> memref<1x128xi32, #tpu.memory_space<vmem>>
          %dma_start3A_272 = arith.constant 0 : i32
          %dma_start3A_273 = tpu.memref_slice %arg3[%dma_start3A_272, %mul3A_267] : memref<1x8192xi32, #tpu.memory_space<hbm>> -> memref<1x128xi32, #tpu.memory_space<hbm>>
          %dma_start3A_274 = tpu.memref_slice %run_scoped3A_7[%rem3A_265] : memref<2x!tpu.dma_semaphore, #tpu.memory_space<semaphore_mem>> -> memref<1x!tpu.dma_semaphore, #tpu.memory_space<semaphore_mem>>
          %dma_start3A_275 = tpu.memref_squeeze %dma_start3A_274 : memref<1x!tpu.dma_semaphore, #tpu.memory_space<semaphore_mem>> -> memref<!tpu.dma_semaphore, #tpu.memory_space<semaphore_mem>>
          %dma_start3A_276 = arith.constant 0 : i32
          %dma_start3A_277 = arith.constant 0 : i32
          %dma_start3A_278 = tpu.memref_slice %run_scoped3A[%rem3A_265, %dma_start3A_276, %dma_start3A_277] : memref<2x1x128xi32, #tpu.memory_space<vmem>> -> memref<1x1x128xi32, #tpu.memory_space<vmem>>
          %dma_start3A_279 = tpu.memref_squeeze %dma_start3A_278 : memref<1x1x128xi32, #tpu.memory_space<vmem>> -> memref<1x128xi32, #tpu.memory_space<vmem>>
          %dma_start3A_280 = arith.constant 0 : i32
          %dma_start3A_281 = tpu.memref_slice %arg3[%dma_start3A_280, %mul3A_267] : memref<1x8192xi32, #tpu.memory_space<hbm>> -> memref<1x128xi32, #tpu.memory_space<hbm>>
          tpu.enqueue_dma source(%dma_start3A_281 : memref<1x128xi32, #tpu.memory_space<hbm>>) target(%dma_start3A_279 : memref<1x128xi32, #tpu.memory_space<vmem>>) target_semaphore(%dma_start3A_275 : memref<!tpu.dma_semaphore, #tpu.memory_space<semaphore_mem>>)
          "tpu.trace_stop"() : () -> ()
        } else {
        }
        %and3A_163 = arith.constant true
        %and3A_164 = arith.andi %and3A, %and3A_163 : i1
        %add3A_165 = arith.constant 1 : i32
        %add3A_166 = arith.addi %scan3A_122, %add3A_165 : i32
        %select_n3A_167 = arith.select %and3A_164, %add3A_166, %scan3A_122 : i32
        %ne3A_168 = arith.cmpi ne, %add3A_131, %add3A_149 : i32
        %or3A_169 = arith.constant false
        %or3A_170 = arith.ori %or3A_169, %ne3A_168 : i1
        %or3A_171 = arith.constant false
        %or3A_172 = arith.ori %or3A_170, %or3A_171 : i1
        %ge3A_173 = arith.constant 1 : i32
        %ge3A_174 = arith.cmpi sge, %scan3A_121, %ge3A_173 : i32
        %not3A_175 = arith.constant true
        %not3A_176 = arith.xori %ge3A_174, %not3A_175 : i1
        %and3A_177 = arith.andi %or3A_172, %not3A_176 : i1
        %ne3A_178 = arith.cmpi ne, %add3A_131, %add3A_140 : i32
        %or3A_179 = arith.constant false
        %or3A_180 = arith.ori %or3A_179, %ne3A_178 : i1
        %or3A_181 = arith.ori %or3A_180, %eq3A_128 : i1
        %convert_element_type3A_182 = arith.extui %or3A_181 : i1 to i32
        %cond3A_183 = arith.constant 0 : i32
        %cond3A_184 = arith.cmpi ne, %convert_element_type3A_182, %cond3A_183 : i32
        scf.if %cond3A_184 {
          "tpu.trace_start"() <{level = 10 : i32, message = "ep_wait_in"}> : () -> ()
          %mul3A_264 = arith.constant 128 : i32
          %mul3A_265 = arith.muli %mul3A_264, %add3A_131 : i32
          %rem3A_266 = arith.constant 2 : i32
          %rem3A_267 = arith.remui %scan3A_123, %rem3A_266 : i32
          %dma_wait3A_268 = arith.constant 0 : i32
          %dma_wait3A_269 = arith.constant 0 : i32
          %dma_wait3A_270 = tpu.memref_slice %run_scoped3A[%rem3A_267, %dma_wait3A_268, %dma_wait3A_269] : memref<2x1x128xi32, #tpu.memory_space<vmem>> -> memref<1x1x128xi32, #tpu.memory_space<vmem>>
          %dma_wait3A_271 = tpu.memref_squeeze %dma_wait3A_270 : memref<1x1x128xi32, #tpu.memory_space<vmem>> -> memref<1x128xi32, #tpu.memory_space<vmem>>
          %dma_wait3A_272 = arith.constant 0 : i32
          %dma_wait3A_273 = tpu.memref_slice %arg3[%dma_wait3A_272, %mul3A_265] : memref<1x8192xi32, #tpu.memory_space<hbm>> -> memref<1x128xi32, #tpu.memory_space<hbm>>
          %dma_wait3A_274 = tpu.memref_slice %run_scoped3A_7[%rem3A_267] : memref<2x!tpu.dma_semaphore, #tpu.memory_space<semaphore_mem>> -> memref<1x!tpu.dma_semaphore, #tpu.memory_space<semaphore_mem>>
          %dma_wait3A_275 = tpu.memref_squeeze %dma_wait3A_274 : memref<1x!tpu.dma_semaphore, #tpu.memory_space<semaphore_mem>> -> memref<!tpu.dma_semaphore, #tpu.memory_space<semaphore_mem>>
          %dma_wait3A_276 = arith.constant 0 : i32
          %dma_wait3A_277 = arith.constant 0 : i32
          %dma_wait3A_278 = tpu.memref_slice %run_scoped3A[%rem3A_267, %dma_wait3A_276, %dma_wait3A_277] : memref<2x1x128xi32, #tpu.memory_space<vmem>> -> memref<1x1x128xi32, #tpu.memory_space<vmem>>
          %dma_wait3A_279 = tpu.memref_squeeze %dma_wait3A_278 : memref<1x1x128xi32, #tpu.memory_space<vmem>> -> memref<1x128xi32, #tpu.memory_space<vmem>>
          %dma_wait3A_280 = arith.constant 0 : i32
          %dma_wait3A_281 = tpu.memref_slice %arg3[%dma_wait3A_280, %mul3A_265] : memref<1x8192xi32, #tpu.memory_space<hbm>> -> memref<1x128xi32, #tpu.memory_space<hbm>>
          tpu.wait_dma2 semaphore(%dma_wait3A_275 : memref<!tpu.dma_semaphore, #tpu.memory_space<semaphore_mem>>) src(%dma_wait3A_281 : memref<1x128xi32, #tpu.memory_space<hbm>>) dst(%dma_wait3A_279 : memref<1x128xi32, #tpu.memory_space<vmem>>)
          "tpu.trace_stop"() : () -> ()
        } else {
        }
        %ne3A_185 = arith.cmpi ne, %add3A_131, %add3A_140 : i32
        %or3A_186 = arith.constant false
        %or3A_187 = arith.ori %or3A_186, %ne3A_185 : i1
        %or3A_188 = arith.constant false
        %or3A_189 = arith.ori %or3A_187, %or3A_188 : i1
        %or3A_190 = arith.ori %or3A_189, %eq3A_128 : i1
        %convert_element_type3A_191 = arith.extui %or3A_190 : i1 to i32
        %cond3A_192 = arith.constant 0 : i32
        %cond3A_193 = arith.cmpi ne, %convert_element_type3A_191, %cond3A_192 : i32
        scf.if %cond3A_193 {
        } else {
        }
        %rem3A_194 = arith.constant 2 : i32
        %rem3A_195 = arith.remui %scan3A_123, %rem3A_194 : i32
        %rem3A_196 = arith.constant 2 : i32
        %rem3A_197 = arith.remui %scan3A_124, %rem3A_196 : i32
        %run_scoped3A_198 = arith.constant 0 : i32
        "tpu.trace_start"() <{level = 10 : i32, message = "ep_run_kernel"}> : () -> ()
        "tpu.region"() ({
          %run_scoped3A_264 = tpu.sem_alloc : memref<!tpu.dma_semaphore, #tpu.memory_space<semaphore_mem>>
          %dma_start3A_265 = arith.constant 0 : i32
          %dma_start3A_266 = arith.constant 0 : i32
          %dma_start3A_267 = tpu.memref_slice %run_scoped3A_8[%rem3A_197, %dma_start3A_265, %dma_start3A_266] : memref<2x128x384xf32, #tpu.memory_space<vmem>> -> memref<1x128x384xf32, #tpu.memory_space<vmem>>
          %dma_start3A_268 = tpu.memref_squeeze %dma_start3A_267 : memref<1x128x384xf32, #tpu.memory_space<vmem>> -> memref<128x384xf32, #tpu.memory_space<vmem>>
          %dma_start3A_269 = arith.constant 0 : i32
          %dma_start3A_270 = arith.constant 0 : i32
          %dma_start3A_271 = tpu.memref_slice %run_scoped3A[%rem3A_195, %dma_start3A_269, %dma_start3A_270] : memref<2x1x128xi32, #tpu.memory_space<vmem>> -> memref<1x1x128xi32, #tpu.memory_space<vmem>>
          %dma_start3A_272 = tpu.memref_squeeze %dma_start3A_271 : memref<1x1x128xi32, #tpu.memory_space<vmem>> -> memref<1x128xi32, #tpu.memory_space<vmem>>
          %dma_start3A_273 = arith.constant 0 : i32
          %dma_start3A_274 = tpu.memref_slice %dma_start3A_272[%run_scoped3A_198, %dma_start3A_273] : memref<1x128xi32, #tpu.memory_space<vmem>> -> memref<1x128xi32, #tpu.memory_space<vmem>>
          %dma_start3A_275 = tpu.memref_squeeze %dma_start3A_274 : memref<1x128xi32, #tpu.memory_space<vmem>> -> memref<128xi32, #tpu.memory_space<vmem>>
          %dma_start3A_276 = arith.constant 0 : i32
          %dma_start3A_277 = arith.constant 0 : i32
          %dma_start3A_278 = tpu.memref_slice %arg2[%dma_start3A_276, %dma_start3A_277] : memref<12288x384xf32, #tpu.memory_space<hbm>> -> memref<12288x384xf32, #tpu.memory_space<hbm>>
          tpu.enqueue_indirect_dma source(%dma_start3A_278 : memref<12288x384xf32, #tpu.memory_space<hbm>>) target(%dma_start3A_268 : memref<128x384xf32, #tpu.memory_space<vmem>>) offsets(%dma_start3A_275 : memref<128xi32, #tpu.memory_space<vmem>>) semaphore(%run_scoped3A_264 : memref<!tpu.dma_semaphore, #tpu.memory_space<semaphore_mem>>)
          %dma_wait3A_279 = arith.constant 0 : i32
          %dma_wait3A_280 = arith.constant 0 : i32
          %dma_wait3A_281 = tpu.memref_slice %run_scoped3A_8[%rem3A_197, %dma_wait3A_279, %dma_wait3A_280] : memref<2x128x384xf32, #tpu.memory_space<vmem>> -> memref<1x128x384xf32, #tpu.memory_space<vmem>>
          %dma_wait3A_282 = tpu.memref_squeeze %dma_wait3A_281 : memref<1x128x384xf32, #tpu.memory_space<vmem>> -> memref<128x384xf32, #tpu.memory_space<vmem>>
          %dma_wait3A_283 = arith.constant 0 : i32
          %dma_wait3A_284 = arith.constant 0 : i32
          %dma_wait3A_285 = tpu.memref_slice %run_scoped3A[%rem3A_195, %dma_wait3A_283, %dma_wait3A_284] : memref<2x1x128xi32, #tpu.memory_space<vmem>> -> memref<1x1x128xi32, #tpu.memory_space<vmem>>
          %dma_wait3A_286 = tpu.memref_squeeze %dma_wait3A_285 : memref<1x1x128xi32, #tpu.memory_space<vmem>> -> memref<1x128xi32, #tpu.memory_space<vmem>>
          %dma_wait3A_287 = arith.constant 0 : i32
          %dma_wait3A_288 = tpu.memref_slice %dma_wait3A_286[%run_scoped3A_198, %dma_wait3A_287] : memref<1x128xi32, #tpu.memory_space<vmem>> -> memref<1x128xi32, #tpu.memory_space<vmem>>
          %dma_wait3A_289 = tpu.memref_squeeze %dma_wait3A_288 : memref<1x128xi32, #tpu.memory_space<vmem>> -> memref<128xi32, #tpu.memory_space<vmem>>
          %dma_wait3A_290 = arith.constant 0 : i32
          %dma_wait3A_291 = arith.constant 0 : i32
          %dma_wait3A_292 = tpu.memref_slice %arg2[%dma_wait3A_290, %dma_wait3A_291] : memref<12288x384xf32, #tpu.memory_space<hbm>> -> memref<12288x384xf32, #tpu.memory_space<hbm>>
          tpu.wait_indirect_dma semaphore(%run_scoped3A_264 : memref<!tpu.dma_semaphore, #tpu.memory_space<semaphore_mem>>) src(%dma_wait3A_292 : memref<12288x384xf32, #tpu.memory_space<hbm>>) dst(%dma_wait3A_282 : memref<128x384xf32, #tpu.memory_space<vmem>>)
          tpu.yield
        }) : () -> ()
        "tpu.trace_stop"() : () -> ()
        %ne3A_199 = arith.cmpi ne, %add3A_131, %add3A_149 : i32
        %or3A_200 = arith.constant false
        %or3A_201 = arith.ori %or3A_200, %ne3A_199 : i1
        %or3A_202 = arith.ori %or3A_201, %eq3A_130 : i1
        %convert_element_type3A_203 = arith.extui %or3A_202 : i1 to i32
        %cond3A_204 = arith.constant 0 : i32
        %cond3A_205 = arith.cmpi ne, %convert_element_type3A_203, %cond3A_204 : i32
        scf.if %cond3A_205 {
        } else {
        }
        %and3A_206 = arith.constant false
        %and3A_207 = arith.andi %or3A_202, %and3A_206 : i1
        %ne3A_208 = arith.cmpi ne, %add3A_131, %add3A_149 : i32
        %or3A_209 = arith.constant false
        %or3A_210 = arith.ori %or3A_209, %ne3A_208 : i1
        %or3A_211 = arith.constant false
        %or3A_212 = arith.ori %or3A_210, %or3A_211 : i1
        %or3A_213 = arith.ori %or3A_212, %eq3A_130 : i1
        %convert_element_type3A_214 = arith.extui %or3A_213 : i1 to i32
        %cond3A_215 = arith.constant 0 : i32
        %cond3A_216 = arith.cmpi ne, %convert_element_type3A_214, %cond3A_215 : i32
        scf.if %cond3A_216 {
          "tpu.trace_start"() <{level = 10 : i32, message = "ep_copy_out"}> : () -> ()
          %rem3A_264 = arith.constant 2 : i32
          %rem3A_265 = arith.remui %scan3A_124, %rem3A_264 : i32
          %mul3A_266 = arith.constant 128 : i32
          %mul3A_267 = arith.muli %mul3A_266, %add3A_131 : i32
          %dma_start3A_268 = arith.constant 0 : i32
          %dma_start3A_269 = arith.constant 0 : i32
          %dma_start3A_270 = tpu.memref_slice %run_scoped3A_8[%rem3A_265, %dma_start3A_268, %dma_start3A_269] : memref<2x128x384xf32, #tpu.memory_space<vmem>> -> memref<1x128x384xf32, #tpu.memory_space<vmem>>
          %dma_start3A_271 = tpu.memref_squeeze %dma_start3A_270 : memref<1x128x384xf32, #tpu.memory_space<vmem>> -> memref<128x384xf32, #tpu.memory_space<vmem>>
          %dma_start3A_272 = arith.constant 0 : i32
          %dma_start3A_273 = tpu.memref_slice %arg4[%mul3A_267, %dma_start3A_272] : memref<8192x384xf32, #tpu.memory_space<hbm>> -> memref<128x384xf32, #tpu.memory_space<hbm>>
          %dma_start3A_274 = tpu.memref_slice %run_scoped3A_9[%rem3A_265] : memref<2x!tpu.dma_semaphore, #tpu.memory_space<semaphore_mem>> -> memref<1x!tpu.dma_semaphore, #tpu.memory_space<semaphore_mem>>
          %dma_start3A_275 = tpu.memref_squeeze %dma_start3A_274 : memref<1x!tpu.dma_semaphore, #tpu.memory_space<semaphore_mem>> -> memref<!tpu.dma_semaphore, #tpu.memory_space<semaphore_mem>>
          %dma_start3A_276 = arith.constant 0 : i32
          %dma_start3A_277 = tpu.memref_slice %arg4[%mul3A_267, %dma_start3A_276] : memref<8192x384xf32, #tpu.memory_space<hbm>> -> memref<128x384xf32, #tpu.memory_space<hbm>>
          %dma_start3A_278 = arith.constant 0 : i32
          %dma_start3A_279 = arith.constant 0 : i32
          %dma_start3A_280 = tpu.memref_slice %run_scoped3A_8[%rem3A_265, %dma_start3A_278, %dma_start3A_279] : memref<2x128x384xf32, #tpu.memory_space<vmem>> -> memref<1x128x384xf32, #tpu.memory_space<vmem>>
          %dma_start3A_281 = tpu.memref_squeeze %dma_start3A_280 : memref<1x128x384xf32, #tpu.memory_space<vmem>> -> memref<128x384xf32, #tpu.memory_space<vmem>>
          tpu.enqueue_dma source(%dma_start3A_281 : memref<128x384xf32, #tpu.memory_space<vmem>>) target(%dma_start3A_277 : memref<128x384xf32, #tpu.memory_space<hbm>>) target_semaphore(%dma_start3A_275 : memref<!tpu.dma_semaphore, #tpu.memory_space<semaphore_mem>>)
          "tpu.trace_stop"() : () -> ()
        } else {
        }
        %and3A_217 = arith.constant true
        %and3A_218 = arith.andi %or3A_213, %and3A_217 : i1
        %add3A_219 = arith.constant 1 : i32
        %add3A_220 = arith.addi %scan3A_124, %add3A_219 : i32
        %select_n3A_221 = arith.select %and3A_218, %add3A_220, %scan3A_124 : i32
        %ne3A_222 = arith.cmpi ne, %add3A_131, %add3A_140 : i32
        %or3A_223 = arith.constant false
        %or3A_224 = arith.ori %or3A_223, %ne3A_222 : i1
        %not3A_225 = arith.constant true
        %not3A_226 = arith.xori %eq3A_128, %not3A_225 : i1
        %and3A_227 = arith.andi %or3A_224, %not3A_226 : i1
        %convert_element_type3A_228 = arith.extui %and3A_227 : i1 to i32
        %cond3A_229 = arith.constant 0 : i32
        %cond3A_230 = arith.cmpi ne, %convert_element_type3A_228, %cond3A_229 : i32
        scf.if %cond3A_230 {
        } else {
        }
        %and3A_231 = arith.constant false
        %and3A_232 = arith.andi %and3A_227, %and3A_231 : i1
        %ne3A_233 = arith.cmpi ne, %add3A_131, %add3A_140 : i32
        %or3A_234 = arith.constant false
        %or3A_235 = arith.ori %or3A_234, %ne3A_233 : i1
        %or3A_236 = arith.constant false
        %or3A_237 = arith.ori %or3A_235, %or3A_236 : i1
        %not3A_238 = arith.constant true
        %not3A_239 = arith.xori %eq3A_128, %not3A_238 : i1
        %and3A_240 = arith.andi %or3A_237, %not3A_239 : i1
        %convert_element_type3A_241 = arith.extui %and3A_240 : i1 to i32
        %cond3A_242 = arith.constant 0 : i32
        %cond3A_243 = arith.cmpi ne, %convert_element_type3A_241, %cond3A_242 : i32
        scf.if %cond3A_243 {
          "tpu.trace_start"() <{level = 10 : i32, message = "ep_wait_out"}> : () -> ()
          %rem3A_264 = arith.constant 2 : i32
          %rem3A_265 = arith.remui %scan3A_125, %rem3A_264 : i32
          %mul3A_266 = arith.constant 128 : i32
          %mul3A_267 = arith.muli %mul3A_266, %add3A_140 : i32
          %dma_wait3A_268 = arith.constant 0 : i32
          %dma_wait3A_269 = arith.constant 0 : i32
          %dma_wait3A_270 = tpu.memref_slice %run_scoped3A_8[%rem3A_265, %dma_wait3A_268, %dma_wait3A_269] : memref<2x128x384xf32, #tpu.memory_space<vmem>> -> memref<1x128x384xf32, #tpu.memory_space<vmem>>
          %dma_wait3A_271 = tpu.memref_squeeze %dma_wait3A_270 : memref<1x128x384xf32, #tpu.memory_space<vmem>> -> memref<128x384xf32, #tpu.memory_space<vmem>>
          %dma_wait3A_272 = arith.constant 0 : i32
          %dma_wait3A_273 = tpu.memref_slice %arg4[%mul3A_267, %dma_wait3A_272] : memref<8192x384xf32, #tpu.memory_space<hbm>> -> memref<128x384xf32, #tpu.memory_space<hbm>>
          %dma_wait3A_274 = tpu.memref_slice %run_scoped3A_9[%rem3A_265] : memref<2x!tpu.dma_semaphore, #tpu.memory_space<semaphore_mem>> -> memref<1x!tpu.dma_semaphore, #tpu.memory_space<semaphore_mem>>
          %dma_wait3A_275 = tpu.memref_squeeze %dma_wait3A_274 : memref<1x!tpu.dma_semaphore, #tpu.memory_space<semaphore_mem>> -> memref<!tpu.dma_semaphore, #tpu.memory_space<semaphore_mem>>
          %dma_wait3A_276 = arith.constant 0 : i32
          %dma_wait3A_277 = tpu.memref_slice %arg4[%mul3A_267, %dma_wait3A_276] : memref<8192x384xf32, #tpu.memory_space<hbm>> -> memref<128x384xf32, #tpu.memory_space<hbm>>
          %dma_wait3A_278 = arith.constant 0 : i32
          %dma_wait3A_279 = arith.constant 0 : i32
          %dma_wait3A_280 = tpu.memref_slice %run_scoped3A_8[%rem3A_265, %dma_wait3A_278, %dma_wait3A_279] : memref<2x128x384xf32, #tpu.memory_space<vmem>> -> memref<1x128x384xf32, #tpu.memory_space<vmem>>
          %dma_wait3A_281 = tpu.memref_squeeze %dma_wait3A_280 : memref<1x128x384xf32, #tpu.memory_space<vmem>> -> memref<128x384xf32, #tpu.memory_space<vmem>>
          tpu.wait_dma2 semaphore(%dma_wait3A_275 : memref<!tpu.dma_semaphore, #tpu.memory_space<semaphore_mem>>) src(%dma_wait3A_281 : memref<128x384xf32, #tpu.memory_space<vmem>>) dst(%dma_wait3A_277 : memref<128x384xf32, #tpu.memory_space<hbm>>)
          "tpu.trace_stop"() : () -> ()
        } else {
        }
        %and3A_244 = arith.constant true
        %and3A_245 = arith.andi %and3A_240, %and3A_244 : i1
        %add3A_246 = arith.constant 1 : i32
        %add3A_247 = arith.addi %scan3A_125, %add3A_246 : i32
        %select_n3A_248 = arith.select %and3A_245, %add3A_247, %scan3A_125 : i32
        %ne3A_249 = arith.cmpi ne, %add3A_131, %add3A_149 : i32
        %or3A_250 = arith.constant false
        %or3A_251 = arith.ori %or3A_250, %ne3A_249 : i1
        %or3A_252 = arith.ori %or3A_251, %eq3A_130 : i1
        %add3A_253 = arith.constant 1 : i32
        %add3A_254 = arith.addi %scan3A_123, %add3A_253 : i32
        %select_n3A_255 = arith.select %or3A_252, %add3A_254, %scan3A_123 : i32
        %add3A_256 = arith.constant 1 : i32
        %add3A_257 = arith.addi %scan3A_126, %add3A_256 : i32
        %select_n3A_258 = arith.constant true
        %select_n3A_259 = arith.select %select_n3A_258, %add3A_257, %scan3A_126 : i32
        %eq3A_260 = arith.constant 2 : i32
        %eq3A_261 = arith.cmpi eq, %select_n3A_259, %eq3A_260 : i32
        %select_n3A_262 = arith.constant 0 : i32
        %select_n3A_263 = arith.select %eq3A_261, %select_n3A_262, %select_n3A_259 : i32
        scf.yield %select_n3A_167, %select_n3A_255, %select_n3A_221, %select_n3A_248, %select_n3A_263 : i32, i32, i32, i32, i32
      }
      %scan3A_68 = arith.constant 2 : i32
      %sub3A = arith.constant 1 : i32
      %sub3A_69 = arith.subi %scan3A_67#4, %sub3A : i32
      %select_n3A_70 = arith.constant true
      %select_n3A_71 = arith.select %select_n3A_70, %sub3A_69, %scan3A_67#4 : i32
      %eq3A_72 = arith.constant -1 : i32
      %eq3A_73 = arith.cmpi eq, %select_n3A_71, %eq3A_72 : i32
      %select_n3A_74 = arith.constant 1 : i32
      %select_n3A_75 = arith.select %eq3A_73, %select_n3A_74, %select_n3A_71 : i32
      %add3A_76 = arith.addi %select_n3A_75, %mul3A_6 : i32
      %sub3A_77 = arith.constant 1 : i32
      %sub3A_78 = arith.subi %select_n3A_75, %sub3A_77 : i32
      %select_n3A_79 = arith.constant true
      %select_n3A_80 = arith.select %select_n3A_79, %sub3A_78, %select_n3A_75 : i32
      %eq3A_81 = arith.constant -1 : i32
      %eq3A_82 = arith.cmpi eq, %select_n3A_80, %eq3A_81 : i32
      %select_n3A_83 = arith.constant 1 : i32
      %select_n3A_84 = arith.select %eq3A_82, %select_n3A_83, %select_n3A_80 : i32
      %add3A_85 = arith.addi %select_n3A_84, %mul3A_6 : i32
      %add3A_86 = arith.constant 1 : i32
      %add3A_87 = arith.addi %select_n3A_75, %add3A_86 : i32
      %select_n3A_88 = arith.constant true
      %select_n3A_89 = arith.select %select_n3A_88, %add3A_87, %select_n3A_75 : i32
      %eq3A_90 = arith.constant 2 : i32
      %eq3A_91 = arith.cmpi eq, %select_n3A_89, %eq3A_90 : i32
      %select_n3A_92 = arith.constant 0 : i32
      %select_n3A_93 = arith.select %eq3A_91, %select_n3A_92, %select_n3A_89 : i32
      %add3A_94 = arith.addi %select_n3A_93, %mul3A_6 : i32
      %add3A_95 = arith.constant 1 : i32
      %add3A_96 = arith.addi %select_n3A_93, %add3A_95 : i32
      %select_n3A_97 = arith.constant true
      %select_n3A_98 = arith.select %select_n3A_97, %add3A_96, %select_n3A_93 : i32
      %eq3A_99 = arith.constant 2 : i32
      %eq3A_100 = arith.cmpi eq, %select_n3A_98, %eq3A_99 : i32
      %select_n3A_101 = arith.constant 0 : i32
      %select_n3A_102 = arith.select %eq3A_100, %select_n3A_101, %select_n3A_98 : i32
      %add3A_103 = arith.addi %select_n3A_102, %mul3A_6 : i32
      "tpu.trace_start"() <{level = 10 : i32, message = "ep_finalize"}> : () -> ()
      %rem3A_104 = arith.constant 2 : i32
      %rem3A_105 = arith.remui %scan3A_67#3, %rem3A_104 : i32
      %mul3A_106 = arith.constant 128 : i32
      %mul3A_107 = arith.muli %mul3A_106, %add3A_76 : i32
      %dma_wait3A = arith.constant 0 : i32
      %dma_wait3A_108 = arith.constant 0 : i32
      %dma_wait3A_109 = tpu.memref_slice %run_scoped3A_8[%rem3A_105, %dma_wait3A, %dma_wait3A_108] : memref<2x128x384xf32, #tpu.memory_space<vmem>> -> memref<1x128x384xf32, #tpu.memory_space<vmem>>
      %dma_wait3A_110 = tpu.memref_squeeze %dma_wait3A_109 : memref<1x128x384xf32, #tpu.memory_space<vmem>> -> memref<128x384xf32, #tpu.memory_space<vmem>>
      %dma_wait3A_111 = arith.constant 0 : i32
      %dma_wait3A_112 = tpu.memref_slice %arg4[%mul3A_107, %dma_wait3A_111] : memref<8192x384xf32, #tpu.memory_space<hbm>> -> memref<128x384xf32, #tpu.memory_space<hbm>>
      %dma_wait3A_113 = tpu.memref_slice %run_scoped3A_9[%rem3A_105] : memref<2x!tpu.dma_semaphore, #tpu.memory_space<semaphore_mem>> -> memref<1x!tpu.dma_semaphore, #tpu.memory_space<semaphore_mem>>
      %dma_wait3A_114 = tpu.memref_squeeze %dma_wait3A_113 : memref<1x!tpu.dma_semaphore, #tpu.memory_space<semaphore_mem>> -> memref<!tpu.dma_semaphore, #tpu.memory_space<semaphore_mem>>
      %dma_wait3A_115 = arith.constant 0 : i32
      %dma_wait3A_116 = tpu.memref_slice %arg4[%mul3A_107, %dma_wait3A_115] : memref<8192x384xf32, #tpu.memory_space<hbm>> -> memref<128x384xf32, #tpu.memory_space<hbm>>
      %dma_wait3A_117 = arith.constant 0 : i32
      %dma_wait3A_118 = arith.constant 0 : i32
      %dma_wait3A_119 = tpu.memref_slice %run_scoped3A_8[%rem3A_105, %dma_wait3A_117, %dma_wait3A_118] : memref<2x128x384xf32, #tpu.memory_space<vmem>> -> memref<1x128x384xf32, #tpu.memory_space<vmem>>
      %dma_wait3A_120 = tpu.memref_squeeze %dma_wait3A_119 : memref<1x128x384xf32, #tpu.memory_space<vmem>> -> memref<128x384xf32, #tpu.memory_space<vmem>>
      tpu.wait_dma2 semaphore(%dma_wait3A_114 : memref<!tpu.dma_semaphore, #tpu.memory_space<semaphore_mem>>) src(%dma_wait3A_120 : memref<128x384xf32, #tpu.memory_space<vmem>>) dst(%dma_wait3A_116 : memref<128x384xf32, #tpu.memory_space<hbm>>)
      "tpu.trace_stop"() : () -> ()
      tpu.yield
    }) : () -> ()
    return
  }
}

module attributes {stable_mosaic.version = 14 : i64} {
  func.func @_router_body(%arg0: memref<2048x768xf32, #tpu.memory_space<vmem>>, %arg1: memref<768x8xf32, #tpu.memory_space<vmem>>, %arg2: memref<1x8xf32, #tpu.memory_space<vmem>>, %arg3: memref<2048x1xi32, #tpu.memory_space<vmem>>, %arg4: memref<2048x1xi32, #tpu.memory_space<vmem>>, %arg5: memref<2048x1xf32, #tpu.memory_space<vmem>>, %arg6: memref<2048x1xf32, #tpu.memory_space<vmem>>, %arg7: memref<1x32xi32, #tpu.memory_space<vmem>>, %arg8: memref<1x32xi32, #tpu.memory_space<vmem>>, %arg9: memref<1x1xi32, #tpu.memory_space<vmem>>) attributes {dimension_semantics = [], scalar_prefetch = 0 : i64, scratch_operands = 0 : i64, tpu.core_type = #tpu.core_type<tc>} {
    %get3A = arith.constant 0 : index
    %get3A_0 = arith.constant 0 : index
    %get3A_1 = vector.load %arg0[%get3A, %get3A_0] : memref<2048x768xf32, #tpu.memory_space<vmem>>, vector<2048x768xf32>
    %get3A_2 = arith.constant 0 : index
    %get3A_3 = arith.constant 0 : index
    %get3A_4 = vector.load %arg1[%get3A_2, %get3A_3] : memref<768x8xf32, #tpu.memory_space<vmem>>, vector<768x8xf32>
    %dot_general3A = arith.constant dense<0.000000e+00> : vector<2048x8xf32>
    %dot_general3A_5 = tpu.matmul %get3A_1, %get3A_4, %dot_general3A {dimension_numbers = #tpu.dot_dimension_numbers<[1], [0], [0], [1], [0, 0, 1, 1], [], []>, transpose_lhs_hint = false} : vector<2048x768xf32>, vector<768x8xf32>, vector<2048x8xf32> -> vector<2048x8xf32>
    %get3A_6 = arith.constant 0 : index
    %get3A_7 = arith.constant 0 : index
    %get3A_8 = vector.load %arg2[%get3A_6, %get3A_7] : memref<1x8xf32, #tpu.memory_space<vmem>>, vector<1x8xf32>
    %add3A = vector.broadcast %get3A_8 : vector<1x8xf32> to vector<2048x8xf32>
    %add3A_9 = arith.addf %dot_general3A_5, %add3A : vector<2048x8xf32>
    %iota3A = tpu.iota {dimensions = array<i32: 1>} : vector<2048x8xi32>
    %reduce_max3A = arith.constant dense<0xFF800000> : vector<2048xf32>
    %reduce_max3A_10 = vector.multi_reduction <maximumf>, %add3A_9, %reduce_max3A [1] : vector<2048x8xf32> to vector<2048xf32>
    %broadcast_in_dim3A = vector.shape_cast %reduce_max3A_10 : vector<2048xf32> to vector<2048x1xf32>
    %eq3A = vector.broadcast %broadcast_in_dim3A : vector<2048x1xf32> to vector<2048x8xf32>
    %eq3A_11 = arith.cmpf oeq, %add3A_9, %eq3A : vector<2048x8xf32>
    %jit3A = arith.constant 8 : i32
    %broadcast_in_dim3A_12 = vector.broadcast %jit3A : i32 to vector<2048x8xi32>
    %select_n3A = arith.select %eq3A_11, %iota3A, %broadcast_in_dim3A_12 : vector<2048x8xi1>, vector<2048x8xi32>
    %reduce_min3A = arith.constant dense<2147483647> : vector<2048xi32>
    %reduce_min3A_13 = vector.multi_reduction <minsi>, %select_n3A, %reduce_min3A [1] : vector<2048x8xi32> to vector<2048xi32>
    %broadcast_in_dim3A_14 = vector.shape_cast %reduce_min3A_13 : vector<2048xi32> to vector<2048x1xi32>
    %eq3A_15 = vector.broadcast %broadcast_in_dim3A_14 : vector<2048x1xi32> to vector<2048x8xi32>
    %eq3A_16 = arith.cmpi eq, %iota3A, %eq3A_15 : vector<2048x8xi32>
    %jit3A_17 = arith.constant 0xFF800000 : f32
    %broadcast_in_dim3A_18 = vector.broadcast %jit3A_17 : f32 to vector<2048x8xf32>
    %select_n3A_19 = arith.select %eq3A_16, %broadcast_in_dim3A_18, %add3A_9 : vector<2048x8xi1>, vector<2048x8xf32>
    %reduce_max3A_20 = arith.constant dense<0xFF800000> : vector<2048xf32>
    %reduce_max3A_21 = vector.multi_reduction <maximumf>, %select_n3A_19, %reduce_max3A_20 [1] : vector<2048x8xf32> to vector<2048xf32>
    %broadcast_in_dim3A_22 = vector.shape_cast %reduce_max3A_21 : vector<2048xf32> to vector<2048x1xf32>
    %eq3A_23 = vector.broadcast %broadcast_in_dim3A_22 : vector<2048x1xf32> to vector<2048x8xf32>
    %eq3A_24 = arith.cmpf oeq, %select_n3A_19, %eq3A_23 : vector<2048x8xf32>
    %jit3A_25 = arith.constant 8 : i32
    %broadcast_in_dim3A_26 = vector.broadcast %jit3A_25 : i32 to vector<2048x8xi32>
    %select_n3A_27 = arith.select %eq3A_24, %iota3A, %broadcast_in_dim3A_26 : vector<2048x8xi1>, vector<2048x8xi32>
    %reduce_min3A_28 = arith.constant dense<2147483647> : vector<2048xi32>
    %reduce_min3A_29 = vector.multi_reduction <minsi>, %select_n3A_27, %reduce_min3A_28 [1] : vector<2048x8xi32> to vector<2048xi32>
    %broadcast_in_dim3A_30 = vector.shape_cast %reduce_min3A_29 : vector<2048xi32> to vector<2048x1xi32>
    %eq3A_31 = vector.broadcast %broadcast_in_dim3A_30 : vector<2048x1xi32> to vector<2048x8xi32>
    %eq3A_32 = arith.cmpi eq, %iota3A, %eq3A_31 : vector<2048x8xi32>
    %sub3A = arith.subf %broadcast_in_dim3A_22, %broadcast_in_dim3A : vector<2048x1xf32>
    %exp3A = math.exp %sub3A : vector<2048x1xf32>
    %add3A_33 = arith.constant 1.000000e+00 : f32
    %add3A_34 = vector.broadcast %add3A_33 : f32 to vector<2048x1xf32>
    %add3A_35 = arith.addf %add3A_34, %exp3A : vector<2048x1xf32>
    %div3A = arith.constant 1.000000e+00 : f32
    %div3A_36 = vector.broadcast %div3A : f32 to vector<2048x1xf32>
    %div3A_37 = arith.divf %div3A_36, %add3A_35 : vector<2048x1xf32>
    %swap3A = arith.constant 0 : index
    %swap3A_38 = arith.constant 0 : index
    %swap3A_39 = vector.load %arg5[%swap3A, %swap3A_38] : memref<2048x1xf32, #tpu.memory_space<vmem>>, vector<2048x1xf32>
    tpu.vector_store %arg5[%swap3A, %swap3A_38], %div3A_37 {strides = array<i32>} : memref<2048x1xf32, #tpu.memory_space<vmem>>, vector<2048x1xf32>,
    %add3A_40 = arith.constant 1.000000e+00 : f32
    %add3A_41 = vector.broadcast %add3A_40 : f32 to vector<2048x1xf32>
    %add3A_42 = arith.addf %add3A_41, %exp3A : vector<2048x1xf32>
    %div3A_43 = arith.divf %exp3A, %add3A_42 : vector<2048x1xf32>
    %swap3A_44 = arith.constant 0 : index
    %swap3A_45 = arith.constant 0 : index
    %swap3A_46 = vector.load %arg6[%swap3A_44, %swap3A_45] : memref<2048x1xf32, #tpu.memory_space<vmem>>, vector<2048x1xf32>
    tpu.vector_store %arg6[%swap3A_44, %swap3A_45], %div3A_43 {strides = array<i32>} : memref<2048x1xf32, #tpu.memory_space<vmem>>, vector<2048x1xf32>,
    %convert_element_type3A = arith.extui %eq3A_16 : vector<2048x8xi1> to vector<2048x8xi32>
    %convert_element_type3A_47 = arith.sitofp %convert_element_type3A : vector<2048x8xi32> to vector<2048x8xf32>
    %convert_element_type3A_48 = arith.extui %eq3A_32 : vector<2048x8xi1> to vector<2048x8xi32>
    %convert_element_type3A_49 = arith.sitofp %convert_element_type3A_48 : vector<2048x8xi32> to vector<2048x8xf32>
    %iota3A_50 = tpu.iota {dimensions = array<i32: 0>} : vector<512x512xi32>
    %iota3A_51 = tpu.iota {dimensions = array<i32: 1>} : vector<512x512xi32>
    %lt3A = arith.cmpi slt, %iota3A_51, %iota3A_50 : vector<512x512xi32>
    %convert_element_type3A_52 = arith.extui %lt3A : vector<512x512xi1> to vector<512x512xi32>
    %convert_element_type3A_53 = arith.sitofp %convert_element_type3A_52 : vector<512x512xi32> to vector<512x512xf32>
    %broadcast_in_dim3A_54 = arith.constant 0.000000e+00 : f32
    %broadcast_in_dim3A_55 = vector.broadcast %broadcast_in_dim3A_54 : f32 to vector<1x8xf32>
    %slice3A = vector.extract_strided_slice %convert_element_type3A_47 {offsets = [0, 0], sizes = [512, 8], strides = [1, 1]} : vector<2048x8xf32> to vector<512x8xf32>
    %dot_general3A_56 = arith.constant dense<0.000000e+00> : vector<512x8xf32>
    %dot_general3A_57 = tpu.matmul %convert_element_type3A_53, %slice3A, %dot_general3A_56 {dimension_numbers = #tpu.dot_dimension_numbers<[1], [0], [0], [1], [0, 0, 1, 1], [], []>, transpose_lhs_hint = false} : vector<512x512xf32>, vector<512x8xf32>, vector<512x8xf32> -> vector<512x8xf32>
    %add3A_58 = vector.broadcast %broadcast_in_dim3A_55 : vector<1x8xf32> to vector<512x8xf32>
    %add3A_59 = arith.addf %dot_general3A_57, %add3A_58 : vector<512x8xf32>
    %reduce_sum3A = arith.constant dense<0.000000e+00> : vector<8xf32>
    %reduce_sum3A_60 = vector.multi_reduction <add>, %slice3A, %reduce_sum3A [0] : vector<512x8xf32> to vector<8xf32>
    %broadcast_in_dim3A_61 = vector.shape_cast %reduce_sum3A_60 : vector<8xf32> to vector<1x8xf32>
    %add3A_62 = arith.addf %broadcast_in_dim3A_55, %broadcast_in_dim3A_61 : vector<1x8xf32>
    %slice3A_63 = vector.extract_strided_slice %convert_element_type3A_47 {offsets = [512, 0], sizes = [512, 8], strides = [1, 1]} : vector<2048x8xf32> to vector<512x8xf32>
    %dot_general3A_64 = arith.constant dense<0.000000e+00> : vector<512x8xf32>
    %dot_general3A_65 = tpu.matmul %convert_element_type3A_53, %slice3A_63, %dot_general3A_64 {dimension_numbers = #tpu.dot_dimension_numbers<[1], [0], [0], [1], [0, 0, 1, 1], [], []>, transpose_lhs_hint = false} : vector<512x512xf32>, vector<512x8xf32>, vector<512x8xf32> -> vector<512x8xf32>
    %add3A_66 = vector.broadcast %add3A_62 : vector<1x8xf32> to vector<512x8xf32>
    %add3A_67 = arith.addf %dot_general3A_65, %add3A_66 : vector<512x8xf32>
    %reduce_sum3A_68 = arith.constant dense<0.000000e+00> : vector<8xf32>
    %reduce_sum3A_69 = vector.multi_reduction <add>, %slice3A_63, %reduce_sum3A_68 [0] : vector<512x8xf32> to vector<8xf32>
    %broadcast_in_dim3A_70 = vector.shape_cast %reduce_sum3A_69 : vector<8xf32> to vector<1x8xf32>
    %add3A_71 = arith.addf %add3A_62, %broadcast_in_dim3A_70 : vector<1x8xf32>
    %slice3A_72 = vector.extract_strided_slice %convert_element_type3A_47 {offsets = [1024, 0], sizes = [512, 8], strides = [1, 1]} : vector<2048x8xf32> to vector<512x8xf32>
    %dot_general3A_73 = arith.constant dense<0.000000e+00> : vector<512x8xf32>
    %dot_general3A_74 = tpu.matmul %convert_element_type3A_53, %slice3A_72, %dot_general3A_73 {dimension_numbers = #tpu.dot_dimension_numbers<[1], [0], [0], [1], [0, 0, 1, 1], [], []>, transpose_lhs_hint = false} : vector<512x512xf32>, vector<512x8xf32>, vector<512x8xf32> -> vector<512x8xf32>
    %add3A_75 = vector.broadcast %add3A_71 : vector<1x8xf32> to vector<512x8xf32>
    %add3A_76 = arith.addf %dot_general3A_74, %add3A_75 : vector<512x8xf32>
    %reduce_sum3A_77 = arith.constant dense<0.000000e+00> : vector<8xf32>
    %reduce_sum3A_78 = vector.multi_reduction <add>, %slice3A_72, %reduce_sum3A_77 [0] : vector<512x8xf32> to vector<8xf32>
    %broadcast_in_dim3A_79 = vector.shape_cast %reduce_sum3A_78 : vector<8xf32> to vector<1x8xf32>
    %add3A_80 = arith.addf %add3A_71, %broadcast_in_dim3A_79 : vector<1x8xf32>
    %slice3A_81 = vector.extract_strided_slice %convert_element_type3A_47 {offsets = [1536, 0], sizes = [512, 8], strides = [1, 1]} : vector<2048x8xf32> to vector<512x8xf32>
    %dot_general3A_82 = arith.constant dense<0.000000e+00> : vector<512x8xf32>
    %dot_general3A_83 = tpu.matmul %convert_element_type3A_53, %slice3A_81, %dot_general3A_82 {dimension_numbers = #tpu.dot_dimension_numbers<[1], [0], [0], [1], [0, 0, 1, 1], [], []>, transpose_lhs_hint = false} : vector<512x512xf32>, vector<512x8xf32>, vector<512x8xf32> -> vector<512x8xf32>
    %add3A_84 = vector.broadcast %add3A_80 : vector<1x8xf32> to vector<512x8xf32>
    %add3A_85 = arith.addf %dot_general3A_83, %add3A_84 : vector<512x8xf32>
    %reduce_sum3A_86 = arith.constant dense<0.000000e+00> : vector<8xf32>
    %reduce_sum3A_87 = vector.multi_reduction <add>, %slice3A_81, %reduce_sum3A_86 [0] : vector<512x8xf32> to vector<8xf32>
    %broadcast_in_dim3A_88 = vector.shape_cast %reduce_sum3A_87 : vector<8xf32> to vector<1x8xf32>
    %add3A_89 = arith.addf %add3A_80, %broadcast_in_dim3A_88 : vector<1x8xf32>
    %concatenate3A = tpu.concatenate %add3A_59, %add3A_67, %add3A_76, %add3A_85 in 0 : vector<512x8xf32>, vector<512x8xf32>, vector<512x8xf32>, vector<512x8xf32> -> vector<2048x8xf32>
    %slice3A_90 = vector.extract_strided_slice %convert_element_type3A_49 {offsets = [0, 0], sizes = [512, 8], strides = [1, 1]} : vector<2048x8xf32> to vector<512x8xf32>
    %dot_general3A_91 = arith.constant dense<0.000000e+00> : vector<512x8xf32>
    %dot_general3A_92 = tpu.matmul %convert_element_type3A_53, %slice3A_90, %dot_general3A_91 {dimension_numbers = #tpu.dot_dimension_numbers<[1], [0], [0], [1], [0, 0, 1, 1], [], []>, transpose_lhs_hint = false} : vector<512x512xf32>, vector<512x8xf32>, vector<512x8xf32> -> vector<512x8xf32>
    %add3A_93 = vector.broadcast %add3A_89 : vector<1x8xf32> to vector<512x8xf32>
    %add3A_94 = arith.addf %dot_general3A_92, %add3A_93 : vector<512x8xf32>
    %reduce_sum3A_95 = arith.constant dense<0.000000e+00> : vector<8xf32>
    %reduce_sum3A_96 = vector.multi_reduction <add>, %slice3A_90, %reduce_sum3A_95 [0] : vector<512x8xf32> to vector<8xf32>
    %broadcast_in_dim3A_97 = vector.shape_cast %reduce_sum3A_96 : vector<8xf32> to vector<1x8xf32>
    %add3A_98 = arith.addf %add3A_89, %broadcast_in_dim3A_97 : vector<1x8xf32>
    %slice3A_99 = vector.extract_strided_slice %convert_element_type3A_49 {offsets = [512, 0], sizes = [512, 8], strides = [1, 1]} : vector<2048x8xf32> to vector<512x8xf32>
    %dot_general3A_100 = arith.constant dense<0.000000e+00> : vector<512x8xf32>
    %dot_general3A_101 = tpu.matmul %convert_element_type3A_53, %slice3A_99, %dot_general3A_100 {dimension_numbers = #tpu.dot_dimension_numbers<[1], [0], [0], [1], [0, 0, 1, 1], [], []>, transpose_lhs_hint = false} : vector<512x512xf32>, vector<512x8xf32>, vector<512x8xf32> -> vector<512x8xf32>
    %add3A_102 = vector.broadcast %add3A_98 : vector<1x8xf32> to vector<512x8xf32>
    %add3A_103 = arith.addf %dot_general3A_101, %add3A_102 : vector<512x8xf32>
    %reduce_sum3A_104 = arith.constant dense<0.000000e+00> : vector<8xf32>
    %reduce_sum3A_105 = vector.multi_reduction <add>, %slice3A_99, %reduce_sum3A_104 [0] : vector<512x8xf32> to vector<8xf32>
    %broadcast_in_dim3A_106 = vector.shape_cast %reduce_sum3A_105 : vector<8xf32> to vector<1x8xf32>
    %add3A_107 = arith.addf %add3A_98, %broadcast_in_dim3A_106 : vector<1x8xf32>
    %slice3A_108 = vector.extract_strided_slice %convert_element_type3A_49 {offsets = [1024, 0], sizes = [512, 8], strides = [1, 1]} : vector<2048x8xf32> to vector<512x8xf32>
    %dot_general3A_109 = arith.constant dense<0.000000e+00> : vector<512x8xf32>
    %dot_general3A_110 = tpu.matmul %convert_element_type3A_53, %slice3A_108, %dot_general3A_109 {dimension_numbers = #tpu.dot_dimension_numbers<[1], [0], [0], [1], [0, 0, 1, 1], [], []>, transpose_lhs_hint = false} : vector<512x512xf32>, vector<512x8xf32>, vector<512x8xf32> -> vector<512x8xf32>
    %add3A_111 = vector.broadcast %add3A_107 : vector<1x8xf32> to vector<512x8xf32>
    %add3A_112 = arith.addf %dot_general3A_110, %add3A_111 : vector<512x8xf32>
    %reduce_sum3A_113 = arith.constant dense<0.000000e+00> : vector<8xf32>
    %reduce_sum3A_114 = vector.multi_reduction <add>, %slice3A_108, %reduce_sum3A_113 [0] : vector<512x8xf32> to vector<8xf32>
    %broadcast_in_dim3A_115 = vector.shape_cast %reduce_sum3A_114 : vector<8xf32> to vector<1x8xf32>
    %add3A_116 = arith.addf %add3A_107, %broadcast_in_dim3A_115 : vector<1x8xf32>
    %slice3A_117 = vector.extract_strided_slice %convert_element_type3A_49 {offsets = [1536, 0], sizes = [512, 8], strides = [1, 1]} : vector<2048x8xf32> to vector<512x8xf32>
    %dot_general3A_118 = arith.constant dense<0.000000e+00> : vector<512x8xf32>
    %dot_general3A_119 = tpu.matmul %convert_element_type3A_53, %slice3A_117, %dot_general3A_118 {dimension_numbers = #tpu.dot_dimension_numbers<[1], [0], [0], [1], [0, 0, 1, 1], [], []>, transpose_lhs_hint = false} : vector<512x512xf32>, vector<512x8xf32>, vector<512x8xf32> -> vector<512x8xf32>
    %add3A_120 = vector.broadcast %add3A_116 : vector<1x8xf32> to vector<512x8xf32>
    %add3A_121 = arith.addf %dot_general3A_119, %add3A_120 : vector<512x8xf32>
    %reduce_sum3A_122 = arith.constant dense<0.000000e+00> : vector<8xf32>
    %reduce_sum3A_123 = vector.multi_reduction <add>, %slice3A_117, %reduce_sum3A_122 [0] : vector<512x8xf32> to vector<8xf32>
    %broadcast_in_dim3A_124 = vector.shape_cast %reduce_sum3A_123 : vector<8xf32> to vector<1x8xf32>
    %add3A_125 = arith.addf %add3A_116, %broadcast_in_dim3A_124 : vector<1x8xf32>
    %concatenate3A_126 = tpu.concatenate %add3A_94, %add3A_103, %add3A_112, %add3A_121 in 0 : vector<512x8xf32>, vector<512x8xf32>, vector<512x8xf32>, vector<512x8xf32> -> vector<2048x8xf32>
    %div3A_127 = arith.constant 2.560000e+02 : f32
    %div3A_128 = vector.broadcast %div3A_127 : f32 to vector<1x8xf32>
    %div3A_129 = arith.divf %add3A_125, %div3A_128 : vector<1x8xf32>
    %ceil3A = math.ceil %div3A_129 : vector<1x8xf32>
    %mul3A = arith.constant 2.560000e+02 : f32
    %mul3A_130 = vector.broadcast %mul3A : f32 to vector<1x8xf32>
    %mul3A_131 = arith.mulf %ceil3A, %mul3A_130 : vector<1x8xf32>
    %iota3A_132 = tpu.iota {dimensions = array<i32: 0>} : vector<8x8xi32>
    %iota3A_133 = tpu.iota {dimensions = array<i32: 1>} : vector<8x8xi32>
    %lt3A_134 = arith.cmpi slt, %iota3A_132, %iota3A_133 : vector<8x8xi32>
    %convert_element_type3A_135 = arith.extui %lt3A_134 : vector<8x8xi1> to vector<8x8xi32>
    %convert_element_type3A_136 = arith.sitofp %convert_element_type3A_135 : vector<8x8xi32> to vector<8x8xf32>
    %dot_general3A_137 = arith.constant dense<0.000000e+00> : vector<1x8xf32>
    %dot_general3A_138 = tpu.matmul %mul3A_131, %convert_element_type3A_136, %dot_general3A_137 {dimension_numbers = #tpu.dot_dimension_numbers<[1], [0], [0], [1], [0, 0, 1, 1], [], []>, transpose_lhs_hint = false} : vector<1x8xf32>, vector<8x8xf32>, vector<1x8xf32> -> vector<1x8xf32>
    %add3A_139 = vector.broadcast %dot_general3A_138 : vector<1x8xf32> to vector<2048x8xf32>
    %add3A_140 = arith.addf %concatenate3A, %add3A_139 : vector<2048x8xf32>
    %mul3A_141 = arith.mulf %add3A_140, %convert_element_type3A_47 : vector<2048x8xf32>
    %reduce_sum3A_142 = arith.constant dense<0.000000e+00> : vector<2048xf32>
    %reduce_sum3A_143 = vector.multi_reduction <add>, %mul3A_141, %reduce_sum3A_142 [1] : vector<2048x8xf32> to vector<2048xf32>
    %broadcast_in_dim3A_144 = vector.shape_cast %reduce_sum3A_143 : vector<2048xf32> to vector<2048x1xf32>
    %add3A_145 = vector.broadcast %dot_general3A_138 : vector<1x8xf32> to vector<2048x8xf32>
    %add3A_146 = arith.addf %concatenate3A_126, %add3A_145 : vector<2048x8xf32>
    %mul3A_147 = arith.mulf %add3A_146, %convert_element_type3A_49 : vector<2048x8xf32>
    %reduce_sum3A_148 = arith.constant dense<0.000000e+00> : vector<2048xf32>
    %reduce_sum3A_149 = vector.multi_reduction <add>, %mul3A_147, %reduce_sum3A_148 [1] : vector<2048x8xf32> to vector<2048xf32>
    %broadcast_in_dim3A_150 = vector.shape_cast %reduce_sum3A_149 : vector<2048xf32> to vector<2048x1xf32>
    %convert_element_type3A_151 = arith.fptosi %broadcast_in_dim3A_144 : vector<2048x1xf32> to vector<2048x1xi32>
    %swap3A_152 = arith.constant 0 : index
    %swap3A_153 = arith.constant 0 : index
    %swap3A_154 = vector.load %arg3[%swap3A_152, %swap3A_153] : memref<2048x1xi32, #tpu.memory_space<vmem>>, vector<2048x1xi32>
    tpu.vector_store %arg3[%swap3A_152, %swap3A_153], %convert_element_type3A_151 {strides = array<i32>} : memref<2048x1xi32, #tpu.memory_space<vmem>>, vector<2048x1xi32>,
    %convert_element_type3A_155 = arith.fptosi %broadcast_in_dim3A_150 : vector<2048x1xf32> to vector<2048x1xi32>
    %swap3A_156 = arith.constant 0 : index
    %swap3A_157 = arith.constant 0 : index
    %swap3A_158 = vector.load %arg4[%swap3A_156, %swap3A_157] : memref<2048x1xi32, #tpu.memory_space<vmem>>, vector<2048x1xi32>
    tpu.vector_store %arg4[%swap3A_156, %swap3A_157], %convert_element_type3A_155 {strides = array<i32>} : memref<2048x1xi32, #tpu.memory_space<vmem>>, vector<2048x1xi32>,
    %add3A_159 = arith.addf %dot_general3A_138, %mul3A_131 : vector<1x8xf32>
    %div3A_160 = arith.constant 2.560000e+02 : f32
    %div3A_161 = vector.broadcast %div3A_160 : f32 to vector<1x8xf32>
    %div3A_162 = arith.divf %add3A_159, %div3A_161 : vector<1x8xf32>
    %eq3A_163 = arith.cmpi eq, %iota3A_132, %iota3A_133 : vector<8x8xi32>
    %convert_element_type3A_164 = arith.extui %eq3A_163 : vector<8x8xi1> to vector<8x8xi32>
    %convert_element_type3A_165 = arith.sitofp %convert_element_type3A_164 : vector<8x8xi32> to vector<8x8xf32>
    %broadcast_in_dim3A_166 = vector.shape_cast %div3A_162 : vector<1x8xf32> to vector<1x8xf32>
    %broadcast_in_dim3A_167 = vector.broadcast %broadcast_in_dim3A_166 : vector<1x8xf32> to vector<8x8xf32>
    %mul3A_168 = arith.mulf %broadcast_in_dim3A_167, %convert_element_type3A_165 : vector<8x8xf32>
    %reduce_sum3A_169 = arith.constant dense<0.000000e+00> : vector<8xf32>
    %reduce_sum3A_170 = vector.multi_reduction <add>, %mul3A_168, %reduce_sum3A_169 [1] : vector<8x8xf32> to vector<8xf32>
    %broadcast_in_dim3A_171 = vector.shape_cast %reduce_sum3A_170 : vector<8xf32> to vector<8x1xf32>
    %iota3A_172 = tpu.iota {dimensions = array<i32: 1>} : vector<8x32xi32>
    %convert_element_type3A_173 = arith.sitofp %iota3A_172 : vector<8x32xi32> to vector<8x32xf32>
    %le3A = vector.broadcast %broadcast_in_dim3A_171 : vector<8x1xf32> to vector<8x32xf32>
    %le3A_174 = arith.cmpf ole, %le3A, %convert_element_type3A_173 : vector<8x32xf32>
    %convert_element_type3A_175 = arith.extui %le3A_174 : vector<8x32xi1> to vector<8x32xi32>
    %reduce_sum3A_176 = arith.constant dense<0> : vector<32xi32>
    %reduce_sum3A_177 = vector.multi_reduction <add>, %convert_element_type3A_175, %reduce_sum3A_176 [0] : vector<8x32xi32> to vector<32xi32>
    %broadcast_in_dim3A_178 = vector.shape_cast %reduce_sum3A_177 : vector<32xi32> to vector<1x32xi32>
    %iota3A_179 = tpu.iota {dimensions = array<i32: 1>} : vector<1x8xi32>
    %gt3A = arith.constant 0.000000e+00 : f32
    %gt3A_180 = vector.broadcast %gt3A : f32 to vector<1x8xf32>
    %gt3A_181 = arith.cmpf ogt, %add3A_125, %gt3A_180 : vector<1x8xf32>
    %jit3A_182 = arith.constant 0 : i32
    %broadcast_in_dim3A_183 = vector.broadcast %jit3A_182 : i32 to vector<1x8xi32>
    %select_n3A_184 = arith.select %gt3A_181, %iota3A_179, %broadcast_in_dim3A_183 : vector<1x8xi1>, vector<1x8xi32>
    %reduce_max3A_185 = arith.constant dense<-2147483648> : vector<1xi32>
    %reduce_max3A_186 = vector.multi_reduction <maxsi>, %select_n3A_184, %reduce_max3A_185 [1] : vector<1x8xi32> to vector<1xi32>
    %broadcast_in_dim3A_187 = vector.shape_cast %reduce_max3A_186 : vector<1xi32> to vector<1x1xi32>
    %min3A = vector.broadcast %broadcast_in_dim3A_187 : vector<1x1xi32> to vector<1x32xi32>
    %min3A_188 = arith.minsi %broadcast_in_dim3A_178, %min3A : vector<1x32xi32>
    %swap3A_189 = arith.constant 0 : index
    %swap3A_190 = arith.constant 0 : index
    %swap3A_191 = vector.load %arg7[%swap3A_189, %swap3A_190] : memref<1x32xi32, #tpu.memory_space<vmem>>, vector<1x32xi32>
    tpu.vector_store %arg7[%swap3A_189, %swap3A_190], %min3A_188 {strides = array<i32>} : memref<1x32xi32, #tpu.memory_space<vmem>>, vector<1x32xi32>,
    %reduce_sum3A_192 = arith.constant dense<0.000000e+00> : vector<1xf32>
    %reduce_sum3A_193 = vector.multi_reduction <add>, %mul3A_131, %reduce_sum3A_192 [1] : vector<1x8xf32> to vector<1xf32>
    %broadcast_in_dim3A_194 = vector.shape_cast %reduce_sum3A_193 : vector<1xf32> to vector<1x1xf32>
    %div3A_195 = arith.constant 2.560000e+02 : f32
    %div3A_196 = vector.broadcast %div3A_195 : f32 to vector<1x1xf32>
    %div3A_197 = arith.divf %broadcast_in_dim3A_194, %div3A_196 : vector<1x1xf32>
    %convert_element_type3A_198 = arith.fptosi %div3A_197 : vector<1x1xf32> to vector<1x1xi32>
    %swap3A_199 = arith.constant 0 : index
    %swap3A_200 = arith.constant 0 : index
    %swap3A_201 = vector.load %arg9[%swap3A_199, %swap3A_200] : memref<1x1xi32, #tpu.memory_space<vmem>>, vector<1x1xi32>
    tpu.vector_store %arg9[%swap3A_199, %swap3A_200], %convert_element_type3A_198 {strides = array<i32>} : memref<1x1xi32, #tpu.memory_space<vmem>>, vector<1x1xi32>,
    %iota3A_202 = tpu.iota {dimensions = array<i32: 1>} : vector<1x32xi32>
    %sub3A_203 = arith.constant 1 : i32
    %sub3A_204 = vector.broadcast %sub3A_203 : i32 to vector<1x1xi32>
    %sub3A_205 = arith.subi %convert_element_type3A_198, %sub3A_204 : vector<1x1xi32>
    %min3A_206 = vector.broadcast %sub3A_205 : vector<1x1xi32> to vector<1x32xi32>
    %min3A_207 = arith.minsi %iota3A_202, %min3A_206 : vector<1x32xi32>
    %swap3A_208 = arith.constant 0 : index
    %swap3A_209 = arith.constant 0 : index
    %swap3A_210 = vector.load %arg8[%swap3A_208, %swap3A_209] : memref<1x32xi32, #tpu.memory_space<vmem>>, vector<1x32xi32>
    tpu.vector_store %arg8[%swap3A_208, %swap3A_209], %min3A_207 {strides = array<i32>} : memref<1x32xi32, #tpu.memory_space<vmem>>, vector<1x32xi32>,
    return
  }
}

module attributes {stable_mosaic.version = 14 : i64} {
  func.func @_ffn_body(%arg0: i32, %arg1: memref<32xi32, #tpu.memory_space<smem>>, %arg2: memref<32xi32, #tpu.memory_space<smem>>, %arg3: memref<1xi32, #tpu.memory_space<smem>>, %arg4: memref<2048x768xf32, #tpu.memory_space<vmem>>, %arg5: memref<1x2048xi32, #tpu.memory_space<vmem>>, %arg6: memref<1x2048xi32, #tpu.memory_space<vmem>>, %arg7: memref<1x768x3072xf32, #tpu.memory_space<vmem>>, %arg8: memref<1x1x3072xf32, #tpu.memory_space<vmem>>, %arg9: memref<1x3072x768xf32, #tpu.memory_space<vmem>>, %arg10: memref<1x1x768xf32, #tpu.memory_space<vmem>>, %arg11: memref<256x768xf32, #tpu.memory_space<vmem>>) attributes {dimension_semantics = [#tpu.dimension_semantics<arbitrary>], iteration_bounds = array<i64: 24>, scalar_prefetch = 3 : i64, scratch_operands = 0 : i64, tpu.core_type = #tpu.core_type<tc>, window_params = [{pipeline_mode = #tpu.pipeline_mode<synchronous>, transform_indices = @transform_0, window_bounds = array<i64: 2048, 768>}, {pipeline_mode = #tpu.pipeline_mode<synchronous>, transform_indices = @transform_1, window_bounds = array<i64: 1, 2048>}, {pipeline_mode = #tpu.pipeline_mode<synchronous>, transform_indices = @transform_2, window_bounds = array<i64: 1, 2048>}, {transform_indices = @transform_3, window_bounds = array<i64: 1, 768, 3072>}, {transform_indices = @transform_4, window_bounds = array<i64: 1, 1, 3072>}, {transform_indices = @transform_5, window_bounds = array<i64: 1, 3072, 768>}, {transform_indices = @transform_6, window_bounds = array<i64: 1, 1, 768>}, {transform_indices = @transform_7, window_bounds = array<i64: 256, 768>}]} {
    %get3A = arith.constant 0 : index
    %get3A_0 = memref.load %arg3[%get3A] : memref<1xi32, #tpu.memory_space<smem>>
    %lt3A = arith.cmpi slt, %arg0, %get3A_0 : i32
    %convert_element_type3A = arith.extui %lt3A : i1 to i32
    %cond3A = arith.constant 0 : i32
    %cond3A_1 = arith.cmpi ne, %convert_element_type3A, %cond3A : i32
    scf.if %cond3A_1 {
      %get3A_2 = arith.index_cast %arg0 : i32 to index
      %get3A_3 = memref.load %arg2[%get3A_2] : memref<32xi32, #tpu.memory_space<smem>>
      %mul3A = arith.constant 256 : i32
      %mul3A_4 = arith.muli %get3A_3, %mul3A : i32
      %iota3A = tpu.iota {dimensions = array<i32: 0>} : vector<256x2048xi32>
      %add3A = vector.broadcast %mul3A_4 : i32 to vector<256x2048xi32>
      %add3A_5 = arith.addi %iota3A, %add3A : vector<256x2048xi32>
      %get3A_6 = arith.constant 0 : index
      %get3A_7 = arith.constant 0 : index
      %get3A_8 = vector.load %arg5[%get3A_6, %get3A_7] : memref<1x2048xi32, #tpu.memory_space<vmem>>, vector<1x2048xi32>
      %eq3A = vector.broadcast %get3A_8 : vector<1x2048xi32> to vector<256x2048xi32>
      %eq3A_9 = arith.cmpi eq, %eq3A, %add3A_5 : vector<256x2048xi32>
      %get3A_10 = arith.constant 0 : index
      %get3A_11 = arith.constant 0 : index
      %get3A_12 = vector.load %arg6[%get3A_10, %get3A_11] : memref<1x2048xi32, #tpu.memory_space<vmem>>, vector<1x2048xi32>
      %eq3A_13 = vector.broadcast %get3A_12 : vector<1x2048xi32> to vector<256x2048xi32>
      %eq3A_14 = arith.cmpi eq, %eq3A_13, %add3A_5 : vector<256x2048xi32>
      %or3A = arith.ori %eq3A_9, %eq3A_14 : vector<256x2048xi1>
      %convert_element_type3A_15 = arith.extui %or3A : vector<256x2048xi1> to vector<256x2048xi32>
      %convert_element_type3A_16 = arith.sitofp %convert_element_type3A_15 : vector<256x2048xi32> to vector<256x2048xf32>
      %get3A_17 = arith.constant 0 : index
      %get3A_18 = arith.constant 0 : index
      %get3A_19 = vector.load %arg4[%get3A_17, %get3A_18] : memref<2048x768xf32, #tpu.memory_space<vmem>>, vector<2048x768xf32>
      %dot_general3A = arith.constant dense<0.000000e+00> : vector<256x768xf32>
      %dot_general3A_20 = tpu.matmul %convert_element_type3A_16, %get3A_19, %dot_general3A {dimension_numbers = #tpu.dot_dimension_numbers<[1], [0], [0], [1], [0, 0, 1, 1], [], []>, transpose_lhs_hint = false} : vector<256x2048xf32>, vector<2048x768xf32>, vector<256x768xf32> -> vector<256x768xf32>
      %get3A_21 = arith.constant 0 : index
      %get3A_22 = arith.constant 0 : index
      %get3A_23 = arith.constant 0 : index
      %get3A_24 = vector.load %arg7[%get3A_21, %get3A_22, %get3A_23] : memref<1x768x3072xf32, #tpu.memory_space<vmem>>, vector<1x768x3072xf32>
      %get3A_25 = vector.shape_cast %get3A_24 : vector<1x768x3072xf32> to vector<768x3072xf32>
      %dot_general3A_26 = arith.constant dense<0.000000e+00> : vector<256x3072xf32>
      %dot_general3A_27 = tpu.matmul %dot_general3A_20, %get3A_25, %dot_general3A_26 {dimension_numbers = #tpu.dot_dimension_numbers<[1], [0], [0], [1], [0, 0, 1, 1], [], []>, transpose_lhs_hint = false} : vector<256x768xf32>, vector<768x3072xf32>, vector<256x3072xf32> -> vector<256x3072xf32>
      %get3A_28 = arith.constant 0 : index
      %get3A_29 = arith.constant 0 : index
      %get3A_30 = arith.constant 0 : index
      %get3A_31 = vector.load %arg8[%get3A_28, %get3A_29, %get3A_30] : memref<1x1x3072xf32, #tpu.memory_space<vmem>>, vector<1x1x3072xf32>
      %get3A_32 = vector.shape_cast %get3A_31 : vector<1x1x3072xf32> to vector<1x3072xf32>
      %add3A_33 = vector.broadcast %get3A_32 : vector<1x3072xf32> to vector<256x3072xf32>
      %add3A_34 = arith.addf %dot_general3A_27, %add3A_33 : vector<256x3072xf32>
      %max3A = arith.constant 0.000000e+00 : f32
      %max3A_35 = vector.broadcast %max3A : f32 to vector<256x3072xf32>
      %max3A_36 = arith.maximumf %add3A_34, %max3A_35 : vector<256x3072xf32>
      %get3A_37 = arith.constant 0 : index
      %get3A_38 = arith.constant 0 : index
      %get3A_39 = arith.constant 0 : index
      %get3A_40 = vector.load %arg9[%get3A_37, %get3A_38, %get3A_39] : memref<1x3072x768xf32, #tpu.memory_space<vmem>>, vector<1x3072x768xf32>
      %get3A_41 = vector.shape_cast %get3A_40 : vector<1x3072x768xf32> to vector<3072x768xf32>
      %dot_general3A_42 = arith.constant dense<0.000000e+00> : vector<256x768xf32>
      %dot_general3A_43 = tpu.matmul %max3A_36, %get3A_41, %dot_general3A_42 {dimension_numbers = #tpu.dot_dimension_numbers<[1], [0], [0], [1], [0, 0, 1, 1], [], []>, transpose_lhs_hint = false} : vector<256x3072xf32>, vector<3072x768xf32>, vector<256x768xf32> -> vector<256x768xf32>
      %get3A_44 = arith.constant 0 : index
      %get3A_45 = arith.constant 0 : index
      %get3A_46 = arith.constant 0 : index
      %get3A_47 = vector.load %arg10[%get3A_44, %get3A_45, %get3A_46] : memref<1x1x768xf32, #tpu.memory_space<vmem>>, vector<1x1x768xf32>
      %get3A_48 = vector.shape_cast %get3A_47 : vector<1x1x768xf32> to vector<1x768xf32>
      %add3A_49 = vector.broadcast %get3A_48 : vector<1x768xf32> to vector<256x768xf32>
      %add3A_50 = arith.addf %dot_general3A_43, %add3A_49 : vector<256x768xf32>
      %swap3A = arith.constant 0 : index
      %swap3A_51 = arith.constant 0 : index
      %swap3A_52 = vector.load %arg11[%swap3A, %swap3A_51] : memref<256x768xf32, #tpu.memory_space<vmem>>, vector<256x768xf32>
      tpu.vector_store %arg11[%swap3A, %swap3A_51], %add3A_50 {strides = array<i32>} : memref<256x768xf32, #tpu.memory_space<vmem>>, vector<256x768xf32>,
    } else {
    }
    return
  }
  func.func @transform_0(%arg0: i32, %arg1: memref<32xi32, #tpu.memory_space<smem>>, %arg2: memref<32xi32, #tpu.memory_space<smem>>, %arg3: memref<1xi32, #tpu.memory_space<smem>>) -> (i32, i32) {
    %c0_i32 = arith.constant 0 : i32
    %c0_i32_0 = arith.constant 0 : i32
    %c0_i32_1 = arith.constant 0 : i32
    return %c0_i32, %c0_i32_0 : i32, i32
  }
  func.func @transform_1(%arg0: i32, %arg1: memref<32xi32, #tpu.memory_space<smem>>, %arg2: memref<32xi32, #tpu.memory_space<smem>>, %arg3: memref<1xi32, #tpu.memory_space<smem>>) -> (i32, i32) {
    %c0_i32 = arith.constant 0 : i32
    %c0_i32_0 = arith.constant 0 : i32
    %c0_i32_1 = arith.constant 0 : i32
    return %c0_i32, %c0_i32_0 : i32, i32
  }
  func.func @transform_2(%arg0: i32, %arg1: memref<32xi32, #tpu.memory_space<smem>>, %arg2: memref<32xi32, #tpu.memory_space<smem>>, %arg3: memref<1xi32, #tpu.memory_space<smem>>) -> (i32, i32) {
    %c0_i32 = arith.constant 0 : i32
    %c0_i32_0 = arith.constant 0 : i32
    %c0_i32_1 = arith.constant 0 : i32
    return %c0_i32, %c0_i32_0 : i32, i32
  }
  func.func @transform_3(%arg0: i32, %arg1: memref<32xi32, #tpu.memory_space<smem>>, %arg2: memref<32xi32, #tpu.memory_space<smem>>, %arg3: memref<1xi32, #tpu.memory_space<smem>>) -> (i32, i32, i32) {
    %get3A = arith.index_cast %arg0 : i32 to index
    %get3A_0 = memref.load %arg1[%get3A] : memref<32xi32, #tpu.memory_space<smem>>
    %c0_i32 = arith.constant 0 : i32
    %c0_i32_1 = arith.constant 0 : i32
    %c0_i32_2 = arith.constant 0 : i32
    return %get3A_0, %c0_i32, %c0_i32_1 : i32, i32, i32
  }
  func.func @transform_4(%arg0: i32, %arg1: memref<32xi32, #tpu.memory_space<smem>>, %arg2: memref<32xi32, #tpu.memory_space<smem>>, %arg3: memref<1xi32, #tpu.memory_space<smem>>) -> (i32, i32, i32) {
    %get3A = arith.index_cast %arg0 : i32 to index
    %get3A_0 = memref.load %arg1[%get3A] : memref<32xi32, #tpu.memory_space<smem>>
    %c0_i32 = arith.constant 0 : i32
    %c0_i32_1 = arith.constant 0 : i32
    %c0_i32_2 = arith.constant 0 : i32
    return %get3A_0, %c0_i32, %c0_i32_1 : i32, i32, i32
  }
  func.func @transform_5(%arg0: i32, %arg1: memref<32xi32, #tpu.memory_space<smem>>, %arg2: memref<32xi32, #tpu.memory_space<smem>>, %arg3: memref<1xi32, #tpu.memory_space<smem>>) -> (i32, i32, i32) {
    %get3A = arith.index_cast %arg0 : i32 to index
    %get3A_0 = memref.load %arg1[%get3A] : memref<32xi32, #tpu.memory_space<smem>>
    %c0_i32 = arith.constant 0 : i32
    %c0_i32_1 = arith.constant 0 : i32
    %c0_i32_2 = arith.constant 0 : i32
    return %get3A_0, %c0_i32, %c0_i32_1 : i32, i32, i32
  }
  func.func @transform_6(%arg0: i32, %arg1: memref<32xi32, #tpu.memory_space<smem>>, %arg2: memref<32xi32, #tpu.memory_space<smem>>, %arg3: memref<1xi32, #tpu.memory_space<smem>>) -> (i32, i32, i32) {
    %get3A = arith.index_cast %arg0 : i32 to index
    %get3A_0 = memref.load %arg1[%get3A] : memref<32xi32, #tpu.memory_space<smem>>
    %c0_i32 = arith.constant 0 : i32
    %c0_i32_1 = arith.constant 0 : i32
    %c0_i32_2 = arith.constant 0 : i32
    return %get3A_0, %c0_i32, %c0_i32_1 : i32, i32, i32
  }
  func.func @transform_7(%arg0: i32, %arg1: memref<32xi32, #tpu.memory_space<smem>>, %arg2: memref<32xi32, #tpu.memory_space<smem>>, %arg3: memref<1xi32, #tpu.memory_space<smem>>) -> (i32, i32) {
    %get3A = arith.index_cast %arg0 : i32 to index
    %get3A_0 = memref.load %arg2[%get3A] : memref<32xi32, #tpu.memory_space<smem>>
    %c0_i32 = arith.constant 0 : i32
    %c0_i32_1 = arith.constant 0 : i32
    return %get3A_0, %c0_i32 : i32, i32
  }
}

module attributes {stable_mosaic.version = 14 : i64} {
  func.func @_wadd_body(%arg0: i32, %arg1: memref<256x768xf32, #tpu.memory_space<vmem>>, %arg2: memref<256x768xf32, #tpu.memory_space<vmem>>, %arg3: memref<256x1xf32, #tpu.memory_space<vmem>>, %arg4: memref<256x1xf32, #tpu.memory_space<vmem>>, %arg5: memref<256x768xf32, #tpu.memory_space<vmem>>) attributes {dimension_semantics = [#tpu.dimension_semantics<arbitrary>], iteration_bounds = array<i64: 8>, scalar_prefetch = 0 : i64, scratch_operands = 0 : i64, tpu.core_type = #tpu.core_type<tc>, window_params = [{transform_indices = @transform_0, window_bounds = array<i64: 256, 768>}, {transform_indices = @transform_1, window_bounds = array<i64: 256, 768>}, {transform_indices = @transform_2, window_bounds = array<i64: 256, 1>}, {transform_indices = @transform_3, window_bounds = array<i64: 256, 1>}, {transform_indices = @transform_4, window_bounds = array<i64: 256, 768>}]} {
    %get3A = arith.constant 0 : index
    %get3A_0 = arith.constant 0 : index
    %get3A_1 = vector.load %arg3[%get3A, %get3A_0] : memref<256x1xf32, #tpu.memory_space<vmem>>, vector<256x1xf32>
    %get3A_2 = arith.constant 0 : index
    %get3A_3 = arith.constant 0 : index
    %get3A_4 = vector.load %arg1[%get3A_2, %get3A_3] : memref<256x768xf32, #tpu.memory_space<vmem>>, vector<256x768xf32>
    %mul3A = vector.broadcast %get3A_1 : vector<256x1xf32> to vector<256x768xf32>
    %mul3A_5 = arith.mulf %mul3A, %get3A_4 : vector<256x768xf32>
    %get3A_6 = arith.constant 0 : index
    %get3A_7 = arith.constant 0 : index
    %get3A_8 = vector.load %arg4[%get3A_6, %get3A_7] : memref<256x1xf32, #tpu.memory_space<vmem>>, vector<256x1xf32>
    %get3A_9 = arith.constant 0 : index
    %get3A_10 = arith.constant 0 : index
    %get3A_11 = vector.load %arg2[%get3A_9, %get3A_10] : memref<256x768xf32, #tpu.memory_space<vmem>>, vector<256x768xf32>
    %mul3A_12 = vector.broadcast %get3A_8 : vector<256x1xf32> to vector<256x768xf32>
    %mul3A_13 = arith.mulf %mul3A_12, %get3A_11 : vector<256x768xf32>
    %add3A = arith.addf %mul3A_5, %mul3A_13 : vector<256x768xf32>
    %swap3A = arith.constant 0 : index
    %swap3A_14 = arith.constant 0 : index
    %swap3A_15 = vector.load %arg5[%swap3A, %swap3A_14] : memref<256x768xf32, #tpu.memory_space<vmem>>, vector<256x768xf32>
    tpu.vector_store %arg5[%swap3A, %swap3A_14], %add3A {strides = array<i32>} : memref<256x768xf32, #tpu.memory_space<vmem>>, vector<256x768xf32>,
    return
  }
  func.func @transform_0(%arg0: i32) -> (i32, i32) {
    %c0_i32 = arith.constant 0 : i32
    %c0_i32_0 = arith.constant 0 : i32
    return %arg0, %c0_i32 : i32, i32
  }
  func.func @transform_1(%arg0: i32) -> (i32, i32) {
    %c0_i32 = arith.constant 0 : i32
    %c0_i32_0 = arith.constant 0 : i32
    return %arg0, %c0_i32 : i32, i32
  }
  func.func @transform_2(%arg0: i32) -> (i32, i32) {
    %c0_i32 = arith.constant 0 : i32
    %c0_i32_0 = arith.constant 0 : i32
    return %arg0, %c0_i32 : i32, i32
  }
  func.func @transform_3(%arg0: i32) -> (i32, i32) {
    %c0_i32 = arith.constant 0 : i32
    %c0_i32_0 = arith.constant 0 : i32
    return %arg0, %c0_i32 : i32, i32
  }
  func.func @transform_4(%arg0: i32) -> (i32, i32) {
    %c0_i32 = arith.constant 0 : i32
    %c0_i32_0 = arith.constant 0 : i32
    return %arg0, %c0_i32 : i32, i32
  }
}

</mosaic_0001>

<sc_bundles>
// kernel: kernel.6.cloned.1.call-start
scs
__scs_entry_jumppad:
0x0: {  	(pc) =	sbr.rel $0x88, $3  }
0x1: {  	(tag) =	ssettag $0x0;
	lr =	simm.s32 $0x1  }
0x2: {  	[smem:$0x3F9A] =	sst lr;
	_ =	strace $0xD0000000  }
0x3: {  	_ = 	snop  }
0x4: {  	_ = 	snop  }
0x5: {  	_ = 	snop  }
0x6: {  	_ = 	snop  }
0x7: {  	_ = 	snop  }
__scs_overlays_trampoline_lowered:
0x8: {  	[smem:$0x3FA9] =	sst s0  }
0x9: {  	[smem:$0x3FAA] =	sst s1  }
0xa: {  	[smem:$0x3FAB] =	sst s2  }
0xb: {  	[smem:$0x3FAC] =	sst s3  }
0xc: {  	[smem:$0x3FAD] =	sst s4  }
0xd: {  	[smem:$0x3FAE] =	sst s5  }
0xe: {  	[smem:$0x3FAF] =	sst s6  }
0xf: {  	[smem:$0x3FB0] =	sst s7  }
0x10: {  	[smem:$0x3FB1] =	sst s8  }
0x11: {  	[smem:$0x3FB2] =	sst s9;
	s0 =	simm.s32 @!p0 $0x0  }
0x12: {  	s1 =	sld [smem:$0x3F98];
	s0 =	simm.s32 @p0 $0x1  }
0x13: {  	[smem:$0x3FB3] =	sst s0;
	s0 =	simm.s32 @!p1 $0x0  }
0x14: {  	s2 =	sld [smem:$0x3F97];
	s0 =	simm.s32 @p1 $0x1  }
0x15: {  	[smem:$0x3FB4] =	sst s0;
	s0 =	simm.s32 @!p2 $0x0  }
0x16: {  	s3 =	sld [smem:$0x3FDB];
	s0 =	simm.s32 @p2 $0x1  }
0x17: {  	s4 =	simm.s32 $0x1BF5;
	[smem:$0x3FB6] =	sst s0  }
0x18: {  	s0 =	sld [smem:$0x3F99];
	_ =	swait.ge [sflag:s4], $0x0  }
0x19: {  	s7 =	sld [smem:$0x3F9A]  }
0x1a: {  	s8 =	sadd.s32 $0xFFFFE003, lr  }
0x1b: {  	s9 =	sadd.s32 $0xFFFFFEF7, lr;
	s5 =	simm.s32 $0xFFFFFFFF;
	p2 =	slt.u32 s8, $0xFFFFF086  }
0x1c: {  	p1 =	slt.u32 s9, $0xF7A;
	s5 =	simm.s32 @!p2 $0x0  }
0x1d: {  	s5 =	simm.s32 @p1 $0x1;
	p0 =	seq.s32 s7, s2  }
0x1e: {  	s7 =	smul.u32 @!p0 $0xF7A, s2;
	p2 =	seq.s32 @!p0 s5, $0x0  }
0x1f: {  	s9 =	smul.u32 $0xF7A, s1;
	s8 =	simm.s32 @!p0 $0x1BF5;
	p2 =	por !p2, p0  }
0x20: {  	[sflag:s8] =	ssyncset.s32 @!p0 $0xFFFFF086;
	s6 =	sadd.s32 @!p0 s3, s7;
	s7 =	simm.s32 @!p0 $0x108  }
0x21: {  	s3 =	sadd.s32 s3, s9;
	s6 =	sadd.s32 @!p0 $0x88, s6;
	s7 =	simm.s32 @p2 $0x1082  }
0x22: {  	[simem:s7], [sflag:s8] =	dma.local @!p0 [hbm:s6], $0xF7A  }
0x23: {  	s9 =	sor.u32 $0xD0000000, s2;
	s6 =	simm.s32 $0x108;
	_ =	swait.ge @!p0 [sflag:s8], $0x0  }
0x24: {  	s3 =	sadd.s32 $0x88, s3;
	s6 =	simm.s32 @!p1 $0x1082;
	[sflag:s4] =	ssyncset.s32 $0xFFFFF086  }
0x25: {  	[simem:s6], [sflag:s4] =	dma.local [hbm:s3], $0xF7A  }
0x26: {  	[smem:$0x3F9A] =	sst s1;
	(tag) =	ssettag s2;
	_ =	strace s9  }
0x27: {  	s1 =	sld [smem:$0x3FAA]  }
0x28: {  	s2 =	sld [smem:$0x3FAB]  }
0x29: {  	s4 =	sld [smem:$0x3FAD]  }
0x2a: {  	p0 =	seq.s32 s5, $0x0;
	s5 =	sld [smem:$0x3FAE]  }
0x2b: {  	s6 =	sld [smem:$0x3FAF]  }
0x2c: {  	s7 =	sld [smem:$0x3FB0]  }
0x2d: {  	s3 =	simm.s32 $0x108;
	s8 =	sld [smem:$0x3FB1]  }
0x2e: {  	s3 =	simm.s32 @!p0 $0x1082;
	s9 =	sld [smem:$0x3FB2]  }
0x2f: {  	lr =	sadd.s32 s0, s3;
	s0 =	sld [smem:$0x3FA9]  }
0x30: {  	s3 =	sld [smem:$0x3FAC]  }
0x31: {  	[smem:$0x3FB5] =	sst s10  }
0x32: {  	s10 =	sld [smem:$0x3FB3];
	_ =	sdelay $0x3  }
0x33: {  	p0 =	seq.s32 s10, $0x1;
	s10 =	sld [smem:$0x3FB5];
	_ =	sdelay $0x3  }
0x34: {  	[smem:$0x3FB5] =	sst s10  }
0x35: {  	s10 =	sld [smem:$0x3FB4];
	_ =	sdelay $0x3  }
0x36: {  	p1 =	seq.s32 s10, $0x1;
	s10 =	sld [smem:$0x3FB5];
	_ =	sdelay $0x3  }
0x37: {  	[smem:$0x3FB5] =	sst s10  }
0x38: {  	s10 =	sld [smem:$0x3FB6]  }
0x39: {  	_ = 	snop;
	(pc) =	sbr.ind lr, $3  }
0x3a: {  	_ = 	snop  }
0x3b: {  	_ = 	snop  }
0x3c: {  	p2 =	seq.s32 s10, $0x1;
	s10 =	sld [smem:$0x3FB5]  }
0x3d: {  	_ =	shalt  }
0x3e: {  	_ =	shalt  }
0x3f: {  	_ =	shalt  }
0x40: {  	_ =	shalt  }
0x41: {  	_ =	shalt  }
0x42: {  	_ =	shalt  }
0x43: {  	_ =	shalt  }
0x44: {  	_ =	shalt  }
0x45: {  	_ =	shalt  }
0x46: {  	_ =	shalt  }
0x47: {  	_ =	shalt  }
0x48: {  	_ =	shalt  }
0x49: {  	_ =	shalt  }
0x4a: {  	_ =	shalt  }
0x4b: {  	_ =	shalt  }
0x4c: {  	_ =	shalt  }
0x4d: {  	_ =	shalt  }
0x4e: {  	_ =	shalt  }
0x4f: {  	_ =	shalt  }
0x50: {  	_ =	shalt  }
0x51: {  	_ =	shalt  }
0x52: {  	_ =	shalt  }
0x53: {  	_ =	shalt  }
0x54: {  	_ =	shalt  }
0x55: {  	_ =	shalt  }
0x56: {  	_ =	shalt  }
0x57: {  	_ =	shalt  }
0x58: {  	_ =	shalt  }
0x59: {  	_ =	shalt  }
0x5a: {  	_ =	shalt  }
0x5b: {  	_ =	shalt  }
0x5c: {  	_ =	shalt  }
0x5d: {  	_ =	shalt  }
0x5e: {  	_ =	shalt  }
0x5f: {  	_ =	shalt  }
0x60: {  	_ =	shalt  }
0x61: {  	_ =	shalt  }
0x62: {  	_ =	shalt  }
0x63: {  	_ =	shalt  }
0x64: {  	_ =	shalt  }
0x65: {  	_ =	shalt  }
0x66: {  	_ =	shalt  }
0x67: {  	_ =	shalt  }
0x68: {  	_ =	shalt  }
0x69: {  	_ =	shalt  }
0x6a: {  	_ =	shalt  }
0x6b: {  	_ =	shalt  }
0x6c: {  	_ =	shalt  }
0x6d: {  	_ =	shalt  }
0x6e: {  	_ =	shalt  }
0x6f: {  	_ =	shalt  }
0x70: {  	_ =	shalt  }
0x71: {  	_ =	shalt  }
0x72: {  	_ =	shalt  }
0x73: {  	_ =	shalt  }
0x74: {  	_ =	shalt  }
0x75: {  	_ =	shalt  }
0x76: {  	_ =	shalt  }
0x77: {  	_ =	shalt  }
0x78: {  	_ =	shalt  }
0x79: {  	_ =	shalt  }
0x7a: {  	_ =	shalt  }
0x7b: {  	_ =	shalt  }
0x7c: {  	_ =	shalt  }
0x7d: {  	_ =	shalt  }
0x7e: {  	_ =	shalt  }
0x7f: {  	_ =	shalt  }
0x80: {  	_ =	shalt  }
0x81: {  	_ =	shalt  }
0x82: {  	_ =	shalt  }
0x83: {  	_ =	shalt  }
0x84: {  	_ =	shalt  }
0x85: {  	_ =	shalt  }
0x86: {  	_ =	shalt  }
0x87: {  	_ =	shalt  }
.Lfunc_end0:
.L_simem_size_0:
called_computation_lowered:
.L_overlay_start_0:
0x88: {  	s2 =	sld [smem:$0x3FD9]  }
0x89: {  	s3 =	sld [smem:$0x3FFE];
	_ =	sdelay $0x1  }
0x8a: {  	s1 =	srdreg.scid  }
0x8b: {  	s0 =	sand.u32 $0x1, s1  }
0x8c: {  	s16 =	sshll.u32 s0, $0xA;
	s2 =	sadd.s32 s3, s2  }
0x8d: {  	s2 =	sadd.s32 s2, s16  }
0x8e: {  	[smem:$0x3FC1] =	sst s2  }
0x8f: {  	_ = 	snop  }
0x90: {  	(tm) =	ssettm $0x1  }
0x91: {  	s17 =	sld [smem:$0x3FFB];
	_ =	sdelay $0x3  }
0x92: {  	_ =	strace s17  }
0x93: {  	s2 =	sld [smem:$0x3FFC];
	_ =	sdelay $0x3  }
0x94: {  	_ =	strace s2  }
0x95: {  	s2 =	sld [smem:$0x3FFD];
	_ =	sdelay $0x3  }
0x96: {  	_ =	strace s2  }
0x97: {  	_ =	strace $0x8FFFFFFF  }
0x98: {  	s18 =	sld [smem:$0x3FDB];
	_ =	sdelay $0x1  }
0x99: {  	s19 =	simm.s32 $_scs_section_size  }
0x9a: {  	s4 =	simm.s32 $_size__tile_overlayer_lowered;
	s5 =	simm.s32 $_tile_overlayer_lowered  }
0x9b: {  	s22 =	simm.s32 $0x1BFF;
	s21 =	sshll.u32 s5, $0x1;
	s2 =	sadd.s32 s19, s18  }
0x9c: {  	s6 =	simm.s32 $0x0;
	s20 =	sshll.u32 s4, $0x1;
	s4 =	sadd.s32 s21, s2  }
0x9d: {  	[timem:s6], [sflag:s22] =	dma.local [hbm:s4], s20  }
0x9e: {  	_ =	swait.ge [sflag:s22], s20  }
0x9f: {  	s3 =	ssub.s32 $0x0, s20;
	[sflag:s22] =	ssyncset.done $0x0  }
0xa0: {  	[sflag:s22] =	ssyncadd.s32 s3;
	_ =	sdelay $0x1  }
0xa1: {  	s23 =	simm.s32 $0x1B8B  }
0xa2: {  	_ =	swait.ge [sflag:s23], $0x1  }
0xa3: {  	[sflag:s23] =	ssyncset.done $0x0  }
0xa4: {  	s25 =	simm.s32 $0x1B8E;
	s24 =	sld [smem:$0x3FFE];
	[sflag:s23] =	ssyncadd.s32 $0xFFFFFFFF  }
0xa5: {  	s26 =	simm.s32 $execute0_lowered;
	[smem:$0x3FD2] =	sst s25  }
0xa6: {  	s4 =	sshll.u32 s26, $0x1;
	_ =	strace $0x80000046;
	[dreg:$0x1] =	wrdreg $0xFFFFFFFF  }
0xa7: {  	s28 =	simm.s32 $_size_execute0_lowered;
	s2 =	sadd.s32 s2, s4;
	[dreg:$0x0] =	wrdreg $0x0  }
0xa8: {  	s4 =	sshll.u32 s28, $0x1;
	[dreg:$0x2] =	wrdreg s2  }
0xa9: {  	[dreg:$0x3] =	wrdreg s4  }
0xaa: {  	[dreg:$0x4] =	wrdreg $0xC0  }
0xab: {  	_ =	task [dreg:s6], $0x5FFFF  }
0xac: {  	[dreg:$0x1] =	wrdreg $0xFFFFFFFF  }
0xad: {  	[dreg:$0x0] =	wrdreg $0x60  }
0xae: {  	[dreg:$0x2] =	wrdreg s24  }
0xaf: {  	[dreg:$0x3] =	wrdreg $0x9  }
0xb0: {  	_ =	task.clear_ibuf [dreg:s6], $0x4FFFF;
	_ =	strace $0x90000046  }
0xb1: {  	s29 =	simm.s32 $0x9;
	_ =	strace $0x8000004F  }
0xb2: {  	_ =	swait.ge [sflag:s29], $0x1  }
0xb3: {  	[sflag:s29] =	ssyncadd.s32 $0xFFFFFFFF  }
0xb4: {  	_ =	strace $0x9000004F  }
0xb5: {  	_ =	sfence  }
0xb6: {  	s30 =	sld [smem:$0x0];
	_ =	sdelay $0x2  }
0xb7: {  	s31 =	sshll.u32 s1, $0xD;
	s1 =	sshrl.u32 s1, $0x2  }
0xb8: {  	s3 =	sand.u32 $0x4000, s31;
	s1 =	sadd.s32 s1, s30  }
0xb9: {  	s0 =	sor.u32 s3, s0;
	s1 =	sshll.u32 s1, $0x11  }
0xba: {  	s0 =	sor.u32 s1, s0  }
0xbb: {  	s0 =	sadd.s32 $0x8F2B, s0  }
0xbc: {  	[sflag:s0] =	ssyncadd.remote.s32 $0x1  }
0xbd: {  	_ =	sfence.sel $0xFFFF  }
0xbe: {  	[dreg:$0x0] =	wrdreg $0xFFFFFFFF;
	(pc) =	sbr.abs _section_cstart, $3  }
0xbf: {  	[dreg:$0x1] =	wrdreg $0xFFFFFFFF  }
0xc0: {  	_ =	task.clear_ibuf [dreg:s6], $0x2FFFF;
	_ =	strace $0x9FFFFFFF  }
0xc1: {  	(tm) =	ssettm $0x7FFFFFFF  }
tec
execute0_lowered:
.L_overlay_start_1:
0x0: {  	(tag) =	ssettag $0x1  }
0x1: {  	s8 =	rddreg [dreg:$0x0]  }
0x2: {  	s0 =	rddreg [dreg:$0x1];
	s1 =	simm.s32 $0x0;
	s2 =	srdreg.scid  }
0x3: {  	s10 =	simm.s32 $0x5;
	s11 =	simm.s32 $0x4;
	s12 =	simm.s32 $0x0  }
0x4: {  	[smem:$0x7FF] =	sst s1;
	s3 =	sadd.s32 $0x9B200, s8;
	s4 =	sadd.s32 $0x1400, s8  }
.Ltmp0:
0x5: {  	s5 =	sand.u32 $0x1, s2;
	s2 =	stileid.u32;
	(pc) =	sbr.rel .LBB2_1-.Ltmp0, $4  }
0x6: {  	_ =	strace $0x80000047;
	s6 =	ssub.s32 $0x2, s5;
	s7 =	sshll.u32 s5, $0x4  }
0x7: {  	v2 =	vlaneseq.u32;
	s5 =	sadd.s32 $0xA600, s8;
	s9 =	sshrl.u32 s6, $0x1;
	s7 =	sor.u32 s2, s7  }
0x8: {  	vm0 =	vmmov $0xffff;
	vm1 =	vmmov $0xff;
	v1 =	vshrl.u32 v2, $0x3;
	s9 =	ssub.s32 s6, s9;
	s6 =	sshll.u32 s7, $0x1;
	s7 =	sshll.u32 s7, $0x5  }
0x9: {  	v0 =	vand.u32 $0x7, v2;
	v2 =	vor.u32 $0x8, v2;
	s8 =	sadd.s32 $0x9B300, s8;
	v1 =	vmul.u32 $0x8, v1;
	s7 =	sadd.s32 s4, s7;
	s9 =	smax.u32 s9, $0x1  }
.LBB2_4:
0xa: {  	s13 =	sand.u32 $0x1, s13  }
0xb: {  	_ =	strace $0x8000004D;
	s13 =	sadd.s32 $0x3, s13  }
0xc: {  	_ =	swait.ge [sflag:s13], $0xC000  }
0xd: {  	[sflag:s13] =	ssyncset.done $0x0  }
0xe: {  	s12 =	sadd.s32 $0x1, s12;
	[sflag:s13] =	ssyncadd.s32 $0xFFFF4000  }
0xf: {  	p0 =	sne.s32 s12, s9;
	_ =	strace $0x9000004D  }
.Ltmp1:
0x10: {  	_ =	strace $0x8000004E;
	(pc) =	sbr.rel @!p0 .LBB2_5-.Ltmp1, $4  }
0x11: {  	_ =	swait.ge [sflag:s11], $0xC000  }
0x12: {  	[sflag:s11] =	ssyncset.done $0x0  }
0x13: {  	[sflag:s11] =	ssyncadd.s32 $0xFFFF4000  }
0x14: {  	_ =	strace $0x9000004E  }
.LBB2_1:
0x15: {  	_ =	strace $0x80000048  }
0x16: {  	p0 =	por $0x1, $0x1;
	p2 =	por $0x0, $0x0;
	s14 =	simm.s32 $0x0  }
0x17: {  	s13 =	simm.s32 $0x0;
	s18 =	simm.s32 $0x0;
	s15 =	simm.s32 $0x0  }
0x18: {  	[tilespmem:s1], [sflag:$0x1] =	stream.linear.gather [hbm4b:s7+s1], $0x80, $0x200038;
	[tilespmem:$0x18100] =	vst v63  }
0x19: {  	s16 =	simm.s32 $0x1;
	s17 =	simm.s32 $0x0;
	_ =	strace $0x90000048  }
.LBB2_2:
0x1a: {  	s19 =	smov.u32 s14;
	s14 =	sadd.s32 $0x1, s14  }
0x1b: {  	p1 =	seq.s32 s14, $0x2  }
0x1c: {  	s14 =	simm.s32 @p1 $0x0  }
0x1d: {  	p1 =	sne.s32 s19, s14  }
0x1e: {  	p1 =	por !p0, !p1  }
0x1f: {  	p1 =	por !p1, !p1  }
0x20: {  	s20 =	sadd.s32 @p1 s6, s14  }
0x21: {  	s21 =	sand.u32 @p1 $0x1, s16;
	s20 =	sshll.u32 @p1 s20, $0x4  }
0x22: {  	_ =	strace @p1 $0x80000049;
	s23 =	simm.s32 @p1 $0x0;
	s20 =	sand.u32 @p1 $0x1FFFFFF0, s20  }
0x23: {  	s22 =	sshll.u32 @p1 s21, $0x7;
	s21 =	sadd.s32 @p1 $0x1, s21;
	s20 =	sadd.s32 @p1 s4, s20  }
0x24: {  	[tilespmem:s22], [sflag:s21] =	stream.linear.gather @p1 [hbm4b:s20+s23], $0x80, $0x200038;
	[tilespmem:$0x18100] =	vst v63  }
0x25: {  	s23 =	sand.u32 $0x1, s15;
	_ =	strace @p1 $0x90000049  }
0x26: {  	s20 =	sadd.s32 $0x1, s23;
	_ =	strace $0x8000004A  }
0x27: {  	_ =	swait.ge [sflag:s20], $0x80  }
0x28: {  	[sflag:s20] =	ssyncset.done $0x0  }
0x29: {  	[sflag:s20] =	ssyncadd.s32 $0xFFFFFF80  }
0x2a: {  	s24 =	sshll.u32 s15, $0x7;
	_ =	strace $0x9000004A  }
0x2b: {  	s23 =	sand.u32 $0x80, s24;
	_ =	strace $0x8000004B  }
0x2c: {  	v3 =	vld [tilespmem:s23+$0x0];
	_ =	sdelay $0x4  }
0x2d: {  	v4 =	vshrl.u32 v3, $0x3  }
0x2e: {  	v4 =	vmul.u32 $0x18, v4  }
0x2f: {  	v3 =	vand.u32 $0x7, v3  }
0x30: {  	v3 =	vor.u32 v3, v4  }
0x31: {  	v4 =	vperm.xlane v3, v0;
	_ =	sdelay $0x1  }
0x32: {  	s20 =	sand.u32 $0x1, s18;
	v4 =	vadd.s32 v1, v4  }
0x33: {  	s25 =	smul.u32 $0x30000, s20  }
0x34: {  	v3 =	vperm.xlane v3, v2  }
0x35: {  	s22 =	sshrl.u32 s25, $0x2  }
0x36: {  	s21 =	sor.u32 $0x100, s22;
	v3 =	vadd.s32 v1, v3  }
0x37: {  	[tilespmem:s21], [sflag:$0x5] =	stream.indirect_vreg.gather [hbm4b:s3+s1], $0x80, v4, vm0, $0x2000b8;
	[tilespmem:$0x18100] =	vst v63  }
0x38: {  	s24 =	sor.u32 $0x900, s22  }
0x39: {  	[tilespmem:s24], [sflag:$0x5] =	stream.indirect_vreg.gather [hbm4b:s8+s1], $0x80, v4, vm1, $0x2000b8;
	[tilespmem:$0x18100] =	vst v63  }
0x3a: {  	s26 =	sor.u32 $0xD00, s22  }
0x3b: {  	[tilespmem:s26], [sflag:$0x5] =	stream.indirect_vreg.gather [hbm4b:s3+s1], $0x80, v3, vm0, $0x2000b8;
	[tilespmem:$0x18100] =	vst v63  }
0x3c: {  	s28 =	sor.u32 $0x1500, s22  }
0x3d: {  	[tilespmem:s28], [sflag:$0x5] =	stream.indirect_vreg.gather [hbm4b:s8+s1], $0x80, v3, vm1, $0x2000b8;
	[tilespmem:$0x18100] =	vst v63  }
0x3e: {  	v3 =	vld [tilespmem:s23+$0x10];
	_ =	sdelay $0x4  }
0x3f: {  	v57 =	vshrl.u32 v3, $0x3  }
0x40: {  	v4 =	vmul.u32 $0x18, v57  }
0x41: {  	v3 =	vand.u32 $0x7, v3  }
0x42: {  	v3 =	vor.u32 v3, v4  }
0x43: {  	v4 =	vperm.xlane v3, v0;
	_ =	sdelay $0x1  }
0x44: {  	v4 =	vadd.s32 v1, v4;
	_ =	sdelay $0x1  }
0x45: {  	v3 =	vperm.xlane v3, v2;
	_ =	sdelay $0x1  }
0x46: {  	s29 =	sor.u32 $0x1900, s22;
	v3 =	vadd.s32 v1, v3  }
0x47: {  	[tilespmem:s29], [sflag:$0x5] =	stream.indirect_vreg.gather [hbm4b:s3+s1], $0x80, v4, vm0, $0x2000b8;
	[tilespmem:$0x18100] =	vst v63  }
0x48: {  	s30 =	sor.u32 $0x2100, s22  }
0x49: {  	[tilespmem:s30], [sflag:$0x5] =	stream.indirect_vreg.gather [hbm4b:s8+s1], $0x80, v4, vm1, $0x2000b8;
	[tilespmem:$0x18100] =	vst v63  }
0x4a: {  	s31 =	sor.u32 $0x2500, s22  }
0x4b: {  	[tilespmem:s31], [sflag:$0x5] =	stream.indirect_vreg.gather [hbm4b:s3+s1], $0x80, v3, vm0, $0x2000b8;
	[tilespmem:$0x18100] =	vst v63  }
0x4c: {  	s25 =	sor.u32 $0x2D00, s22  }
0x4d: {  	[tilespmem:s25], [sflag:$0x5] =	stream.indirect_vreg.gather [hbm4b:s8+s1], $0x80, v3, vm1, $0x2000b8;
	[tilespmem:$0x18100] =	vst v63  }
0x4e: {  	v3 =	vld [tilespmem:s23+$0x20];
	_ =	sdelay $0x4  }
0x4f: {  	v58 =	vshrl.u32 v3, $0x3  }
0x50: {  	v4 =	vmul.u32 $0x18, v58  }
0x51: {  	v3 =	vand.u32 $0x7, v3  }
0x52: {  	v3 =	vor.u32 v3, v4  }
0x53: {  	v4 =	vperm.xlane v3, v0;
	_ =	sdelay $0x1  }
0x54: {  	v4 =	vadd.s32 v1, v4;
	_ =	sdelay $0x1  }
0x55: {  	v3 =	vperm.xlane v3, v2;
	_ =	sdelay $0x1  }
0x56: {  	s26 =	sor.u32 $0x3100, s22;
	v3 =	vadd.s32 v1, v3  }
0x57: {  	[tilespmem:s26], [sflag:$0x5] =	stream.indirect_vreg.gather [hbm4b:s3+s1], $0x80, v4, vm0, $0x2000b8;
	[tilespmem:$0x18100] =	vst v63  }
0x58: {  	s28 =	sor.u32 $0x3900, s22  }
0x59: {  	[tilespmem:s28], [sflag:$0x5] =	stream.indirect_vreg.gather [hbm4b:s8+s1], $0x80, v4, vm1, $0x2000b8;
	[tilespmem:$0x18100] =	vst v63  }
0x5a: {  	s29 =	sor.u32 $0x3D00, s22  }
0x5b: {  	[tilespmem:s29], [sflag:$0x5] =	stream.indirect_vreg.gather [hbm4b:s3+s1], $0x80, v3, vm0, $0x2000b8;
	[tilespmem:$0x18100] =	vst v63  }
0x5c: {  	s30 =	sadd.s32 $0x4500, s22  }
0x5d: {  	[tilespmem:s30], [sflag:$0x5] =	stream.indirect_vreg.gather [hbm4b:s8+s1], $0x80, v3, vm1, $0x2000b8;
	[tilespmem:$0x18100] =	vst v63  }
0x5e: {  	v3 =	vld [tilespmem:s23+$0x30];
	_ =	sdelay $0x4  }
0x5f: {  	v59 =	vshrl.u32 v3, $0x3  }
0x60: {  	v4 =	vmul.u32 $0x18, v59  }
0x61: {  	v3 =	vand.u32 $0x7, v3  }
0x62: {  	v3 =	vor.u32 v3, v4  }
0x63: {  	v4 =	vperm.xlane v3, v0;
	_ =	sdelay $0x1  }
0x64: {  	v4 =	vadd.s32 v1, v4;
	_ =	sdelay $0x1  }
0x65: {  	v3 =	vperm.xlane v3, v2;
	_ =	sdelay $0x1  }
0x66: {  	s31 =	sadd.s32 $0x4900, s22;
	v3 =	vadd.s32 v1, v3  }
0x67: {  	[tilespmem:s31], [sflag:$0x5] =	stream.indirect_vreg.gather [hbm4b:s3+s1], $0x80, v4, vm0, $0x2000b8;
	[tilespmem:$0x18100] =	vst v63  }
0x68: {  	s25 =	sadd.s32 $0x5100, s22  }
0x69: {  	[tilespmem:s25], [sflag:$0x5] =	stream.indirect_vreg.gather [hbm4b:s8+s1], $0x80, v4, vm1, $0x2000b8;
	[tilespmem:$0x18100] =	vst v63  }
0x6a: {  	s26 =	sadd.s32 $0x5500, s22  }
0x6b: {  	[tilespmem:s26], [sflag:$0x5] =	stream.indirect_vreg.gather [hbm4b:s3+s1], $0x80, v3, vm0, $0x2000b8;
	[tilespmem:$0x18100] =	vst v63  }
0x6c: {  	s28 =	sadd.s32 $0x5D00, s22  }
0x6d: {  	[tilespmem:s28], [sflag:$0x5] =	stream.indirect_vreg.gather [hbm4b:s8+s1], $0x80, v3, vm1, $0x2000b8;
	[tilespmem:$0x18100] =	vst v63  }
0x6e: {  	v3 =	vld [tilespmem:s23+$0x40];
	_ =	sdelay $0x4  }
0x6f: {  	v60 =	vshrl.u32 v3, $0x3  }
0x70: {  	v4 =	vmul.u32 $0x18, v60  }
0x71: {  	v3 =	vand.u32 $0x7, v3  }
0x72: {  	v3 =	vor.u32 v3, v4  }
0x73: {  	v4 =	vperm.xlane v3, v0;
	_ =	sdelay $0x1  }
0x74: {  	v4 =	vadd.s32 v1, v4;
	_ =	sdelay $0x1  }
0x75: {  	v3 =	vperm.xlane v3, v2;
	_ =	sdelay $0x1  }
0x76: {  	s29 =	sadd.s32 $0x6100, s22;
	v3 =	vadd.s32 v1, v3  }
0x77: {  	[tilespmem:s29], [sflag:$0x5] =	stream.indirect_vreg.gather [hbm4b:s3+s1], $0x80, v4, vm0, $0x2000b8;
	[tilespmem:$0x18100] =	vst v63  }
0x78: {  	s30 =	sadd.s32 $0x6900, s22  }
0x79: {  	[tilespmem:s30], [sflag:$0x5] =	stream.indirect_vreg.gather [hbm4b:s8+s1], $0x80, v4, vm1, $0x2000b8;
	[tilespmem:$0x18100] =	vst v63  }
0x7a: {  	s31 =	sadd.s32 $0x6D00, s22  }
0x7b: {  	[tilespmem:s31], [sflag:$0x5] =	stream.indirect_vreg.gather [hbm4b:s3+s1], $0x80, v3, vm0, $0x2000b8;
	[tilespmem:$0x18100] =	vst v63  }
0x7c: {  	s25 =	sadd.s32 $0x7500, s22  }
0x7d: {  	[tilespmem:s25], [sflag:$0x5] =	stream.indirect_vreg.gather [hbm4b:s8+s1], $0x80, v3, vm1, $0x2000b8;
	[tilespmem:$0x18100] =	vst v63  }
0x7e: {  	v3 =	vld [tilespmem:s23+$0x50];
	_ =	sdelay $0x4  }
0x7f: {  	v61 =	vshrl.u32 v3, $0x3  }
0x80: {  	v4 =	vmul.u32 $0x18, v61  }
0x81: {  	v3 =	vand.u32 $0x7, v3  }
0x82: {  	v3 =	vor.u32 v3, v4  }
0x83: {  	v4 =	vperm.xlane v3, v0;
	_ =	sdelay $0x1  }
0x84: {  	v4 =	vadd.s32 v1, v4;
	_ =	sdelay $0x1  }
0x85: {  	v3 =	vperm.xlane v3, v2;
	_ =	sdelay $0x1  }
0x86: {  	s26 =	sadd.s32 $0x7900, s22;
	v3 =	vadd.s32 v1, v3  }
0x87: {  	[tilespmem:s26], [sflag:$0x5] =	stream.indirect_vreg.gather [hbm4b:s3+s1], $0x80, v4, vm0, $0x2000b8;
	[tilespmem:$0x18100] =	vst v63  }
0x88: {  	s28 =	sadd.s32 $0x8100, s22  }
0x89: {  	[tilespmem:s28], [sflag:$0x5] =	stream.indirect_vreg.gather [hbm4b:s8+s1], $0x80, v4, vm1, $0x2000b8;
	[tilespmem:$0x18100] =	vst v63  }
0x8a: {  	s29 =	sadd.s32 $0x8500, s22  }
0x8b: {  	[tilespmem:s29], [sflag:$0x5] =	stream.indirect_vreg.gather [hbm4b:s3+s1], $0x80, v3, vm0, $0x2000b8;
	[tilespmem:$0x18100] =	vst v63  }
0x8c: {  	s30 =	sadd.s32 $0x8D00, s22  }
0x8d: {  	[tilespmem:s30], [sflag:$0x5] =	stream.indirect_vreg.gather [hbm4b:s8+s1], $0x80, v3, vm1, $0x2000b8;
	[tilespmem:$0x18100] =	vst v63  }
0x8e: {  	v3 =	vld [tilespmem:s23+$0x60];
	_ =	sdelay $0x4  }
0x8f: {  	v62 =	vshrl.u32 v3, $0x3  }
0x90: {  	v4 =	vmul.u32 $0x18, v62  }
0x91: {  	v3 =	vand.u32 $0x7, v3  }
0x92: {  	v3 =	vor.u32 v3, v4  }
0x93: {  	v4 =	vperm.xlane v3, v0;
	_ =	sdelay $0x1  }
0x94: {  	v4 =	vadd.s32 v1, v4;
	_ =	sdelay $0x1  }
0x95: {  	v3 =	vperm.xlane v3, v2;
	_ =	sdelay $0x1  }
0x96: {  	s31 =	sadd.s32 $0x9100, s22;
	v3 =	vadd.s32 v1, v3  }
0x97: {  	[tilespmem:s31], [sflag:$0x5] =	stream.indirect_vreg.gather [hbm4b:s3+s1], $0x80, v4, vm0, $0x2000b8;
	[tilespmem:$0x18100] =	vst v63  }
0x98: {  	s25 =	sadd.s32 $0x9900, s22  }
0x99: {  	[tilespmem:s25], [sflag:$0x5] =	stream.indirect_vreg.gather [hbm4b:s8+s1], $0x80, v4, vm1, $0x2000b8;
	[tilespmem:$0x18100] =	vst v63  }
0x9a: {  	s26 =	sadd.s32 $0x9D00, s22  }
0x9b: {  	[tilespmem:s26], [sflag:$0x5] =	stream.indirect_vreg.gather [hbm4b:s3+s1], $0x80, v3, vm0, $0x2000b8;
	[tilespmem:$0x18100] =	vst v63  }
0x9c: {  	s28 =	sadd.s32 $0xA500, s22  }
0x9d: {  	[tilespmem:s28], [sflag:$0x5] =	stream.indirect_vreg.gather [hbm4b:s8+s1], $0x80, v3, vm1, $0x2000b8;
	[tilespmem:$0x18100] =	vst v63  }
0x9e: {  	v3 =	vld [tilespmem:s23+$0x70];
	_ =	sdelay $0x4  }
0x9f: {  	v63 =	vshrl.u32 v3, $0x3  }
0xa0: {  	v4 =	vmul.u32 $0x18, v63  }
0xa1: {  	v3 =	vand.u32 $0x7, v3  }
0xa2: {  	v3 =	vor.u32 v3, v4  }
0xa3: {  	v4 =	vperm.xlane v3, v0;
	_ =	sdelay $0x1  }
0xa4: {  	v4 =	vadd.s32 v1, v4;
	_ =	sdelay $0x1  }
0xa5: {  	v3 =	vperm.xlane v3, v2;
	_ =	sdelay $0x1  }
0xa6: {  	s29 =	sadd.s32 $0xA900, s22;
	v3 =	vadd.s32 v1, v3  }
0xa7: {  	[tilespmem:s29], [sflag:$0x5] =	stream.indirect_vreg.gather [hbm4b:s3+s1], $0x80, v4, vm0, $0x2000b8;
	[tilespmem:$0x18100] =	vst v63  }
0xa8: {  	s30 =	sadd.s32 $0xB100, s22  }
0xa9: {  	[tilespmem:s30], [sflag:$0x5] =	stream.indirect_vreg.gather [hbm4b:s8+s1], $0x80, v4, vm1, $0x2000b8;
	[tilespmem:$0x18100] =	vst v63  }
0xaa: {  	p2 =	por !p2, !p2;
	p3 =	seq.s32 s19, s14;
	s31 =	sadd.s32 $0xB500, s22  }
0xab: {  	[tilespmem:s31], [sflag:$0x5] =	stream.indirect_vreg.gather [hbm4b:s3+s1], $0x80, v3, vm0, $0x2000b8;
	[tilespmem:$0x18100] =	vst v63  }
0xac: {  	p2 =	por !p2, !p3;
	s22 =	sadd.s32 $0xBD00, s22  }
0xad: {  	[tilespmem:s22], [sflag:$0x5] =	stream.indirect_vreg.gather [hbm4b:s8+s1], $0x80, v3, vm1, $0x2000b8;
	[tilespmem:$0x18100] =	vst v63  }
0xae: {  	s19 =	sadd.s32 s6, s19;
	p2 =	por !p2, !p2;
	_ =	swait.ge [sflag:s10], $0xC000  }
0xaf: {  	s19 =	smul.u32 @!p2 $0x1800, s19;
	p0 =	por p2, p0;
	[sflag:s10] =	ssyncset.done $0x0  }
.Ltmp2:
0xb0: {  	[sflag:s10] =	ssyncadd.s32 $0xFFFF4000;
	(pc) =	sbr.rel @!p0 .LBB2_4-.Ltmp2, $4  }
0xb1: {  	s19 =	sadd.s32 @!p2 s5, s19;
	_ =	strace $0x9000004B  }
0xb2: {  	s20 =	sadd.s32 @!p2 $0x3, s20;
	s22 =	simm.s32 @!p2 $0x0;
	_ =	strace @!p2 $0x8000004C  }
0xb3: {  	[hbm4b:s19+s22] =	stream.linear.scatter @!p2 [tilespmem:s21], [sflag:s20], $0xC000, $0x200038;
	[tilespmem:$0x18100] =	vst v63  }
0xb4: {  	_ =	strace @!p2 $0x9000004C  }
.Ltmp3:
0xb5: {  	s19 =	simm.s32 $0x1;
	(pc) =	sbr.rel .LBB2_2-.Ltmp3, $4  }
0xb6: {  	s20 =	simm.s32 @!p2 $0x1;
	s13 =	sadd.s32 s17, s13;
	s19 =	simm.s32 @!p1 $0x0  }
0xb7: {  	s17 =	simm.s32 $0x1;
	s16 =	sadd.s32 s19, s16;
	s19 =	sadd.s32 @!p2 $0x1, s18  }
0xb8: {  	p0 =	por $0x0, $0x0;
	s20 =	simm.s32 @p2 $0x0;
	s19 =	smov.u32 @p2 s18  }
0xb9: {  	s15 =	sadd.s32 s15, s20;
	p2 =	por $0x1, $0x1;
	s18 =	smov.u32 s19  }
.LBB2_5:
0xba: {  	_ =	sfence.sel $0x180000  }
0xbb: {  	[bflag:$0x0] =	sbarrier.arrive $0xFFFF  }
0xbc: {  	p0 =	sne.s32 s2, $0x0;
	_ =	strace $0x90000047  }
0xbd: {  	s0 =	sadd.s32 @!p0 $0x100000, s0;
	[bflag:$0x2] =	sbarrier.arrive $0xFFFF  }
0xbe: {  	[sflag:s0] =	ssyncadd.tile.s32 @!p0 $0x1;
	_ =	shalt  }
.Lfunc_end2:
_tile_overlayer_lowered:
.L_overlay_start_2:
0xbf: {  	(tag) =	ssettag $0x2  }
0xc0: {  	s0 =	rddreg [dreg:$0x0];
	s2 =	stileid.u32  }
0xc1: {  	s1 =	rddreg [dreg:$0x1];
	p0 =	sne.s32 s2, $0x0  }
0xc2: {  	s3 =	rddreg [dreg:$0x2];
	[bflag:$0x3] =	sbarrier.arrive $0xFFFF;
	s2 =	simm.s32 @!p0 $0x1C01  }
0xc3: {  	[timem:s3], [sflag:s2] =	dma.local @!p0 [hbm:s0], s1  }
0xc4: {  	s0 =	simm.s32 @!p0 $0x1  }
0xc5: {  	_ =	swait.ge @!p0 [sflag:s0], s1  }
0xc6: {  	s1 =	ssub.s32 @!p0 $0x0, s1;
	[sflag:s0] =	ssyncset.done @!p0 $0x0  }
0xc7: {  	[sflag:s0] =	ssyncadd.s32 @!p0 s1  }
0xc8: {  	[bflag:$0x3] =	sbarrier.arrive $0xFFFF  }
0xc9: {  	_ =	shalt  }

</sc_bundles>
